<compile_context>
chip_gen: v7x
topology: tpu7x:2x2x1
jax: 0.10.2.dev20260603
libtpu: 0.0.44.dev20260713+nightly
codegen_flags: <defaults>
</compile_context>

<pallas_src>
import functools

import jax
import jax.numpy as jnp
from jax import lax
from jax.experimental import pallas as pl
from jax.experimental.pallas import tpu as pltpu
from jax.experimental.pallas import tpu_sc as plsc

N_ATOMS = 800000
N_CRYSTALS = 2000
APC = 400
FEA = 64


COLS_PER_BLK = 32000
N_BLKS = N_ATOMS // COLS_PER_BLK


def _le_body(xt_ref, w_ref, b_ref, le_ref):
    xt = xt_ref[...]
    w = w_ref[...]
    le_ref[...] = jnp.sum(xt * w, axis=0, keepdims=True) + b_ref[0, 0]


def _local_energy(fea_t, w_col, b2):
    return pl.pallas_call(
        _le_body,
        grid=(N_BLKS,),
        in_specs=[
            pl.BlockSpec((FEA, COLS_PER_BLK), lambda i: (0, i)),
            pl.BlockSpec((FEA, 1), lambda i: (0, 0)),
            pl.BlockSpec((1, 1), lambda i: (0, 0)),
        ],
        out_specs=pl.BlockSpec((1, COLS_PER_BLK), lambda i: (0, i)),
        out_shape=jax.ShapeDtypeStruct((1, N_ATOMS), jnp.float32),
    )(fea_t, w_col, b2)



NUM_CORES = 2
NUM_SUBCORES = 16
NW = NUM_CORES * NUM_SUBCORES
MAIN_CRYSTALS = 64
TAIL_CRYSTALS = N_CRYSTALS - MAIN_CRYSTALS * (NW - 1)
MAIN_ATOMS = MAIN_CRYSTALS * APC
TAIL_ATOMS = TAIL_CRYSTALS * APC


def _voltage_sc(le_flat):
    mesh = plsc.VectorSubcoreMesh(core_axis_name="c", subcore_axis_name="s")

    @functools.partial(
        pl.kernel,
        mesh=mesh,
        out_type=jax.ShapeDtypeStruct((N_CRYSTALS,), jnp.float32),
        scratch_types=[
            pltpu.VMEM((MAIN_ATOMS,), jnp.float32),
            pltpu.VMEM((MAIN_CRYSTALS,), jnp.float32),
        ],
        compiler_params=pltpu.CompilerParams(needs_layout_passes=False),
    )
    def volt_kernel(le_hbm, out_hbm, le_v, v_v):
        wid = lax.axis_index("s") * NUM_CORES + lax.axis_index("c")
        lanes = lax.iota(jnp.int32, 16)
        crystal0 = wid * MAIN_CRYSTALS

        def reduce_crystals(n_crystals):
            def gbody(g, _):
                def cbody(ci, vsum):
                    base = (g * 16 + ci) * APC
                    acc = le_v[pl.ds(base, 16)]
                    for j in range(1, APC // 16):
                        acc = acc + le_v[pl.ds(base + j * 16, 16)]
                    total = jnp.sum(acc)
                    return jnp.where(lanes == ci, total, vsum)

                vsum = lax.fori_loop(0, 16, cbody, jnp.zeros((16,), jnp.float32))
                v_v[pl.ds(g * 16, 16)] = vsum * (1.0 / APC)
                return 0

            lax.fori_loop(0, n_crystals // 16, gbody, 0)

        @pl.when(wid < NW - 1)
        def _():
            pltpu.sync_copy(le_hbm.at[pl.ds(crystal0 * APC, MAIN_ATOMS)], le_v)
            reduce_crystals(MAIN_CRYSTALS)
            pltpu.sync_copy(
                v_v, out_hbm.at[pl.ds(crystal0, MAIN_CRYSTALS)]
            )

        @pl.when(wid == NW - 1)
        def _():
            pltpu.sync_copy(
                le_hbm.at[pl.ds(crystal0 * APC, TAIL_ATOMS)],
                le_v.at[pl.ds(0, TAIL_ATOMS)],
            )
            reduce_crystals(TAIL_CRYSTALS)
            pltpu.sync_copy(
                v_v.at[pl.ds(0, TAIL_CRYSTALS)],
                out_hbm.at[pl.ds(crystal0, TAIL_CRYSTALS)],
            )

    return volt_kernel(le_flat)


def kernel(atom_bond_fea, crystal_atom_idx, W, b):
    del crystal_atom_idx
    w_col = W.reshape(FEA, 1)
    b2 = b.reshape(1, 1)
    le_row = _local_energy(atom_bond_fea.T, w_col, b2)
    voltage = _voltage_sc(le_row.reshape(N_ATOMS))
    return (voltage.reshape(N_CRYSTALS, 1), le_row.reshape(N_ATOMS, 1))

# --- scband reference (transcript-rebuilt; emitter-appended) ---
"""Pipeline reference for scband-local-energy-3590592660136 (READ-ONLY COPY).

The authoritative reference and input builder live on the scoring server;
editing this copy changes nothing except your own understanding.
"""

import jax, jax.numpy as jnp
import numpy as np

N_ATOMS = 800000
N_CRYSTALS = 2000
ATOMS_PER_CRYSTAL = 400
FEA_LEN = 64


def setup_inputs(seed: int = 0) -> dict:
    key = jax.random.key(seed)
    k1, k2, k3 = jax.random.split(key, 3)
    atom_bond_fea = jax.random.normal(k1, (N_ATOMS, FEA_LEN), dtype=jnp.float32)
    # list of per-crystal atom index maps, materialized as a [N0, A] int tensor
    # (rows are the idx_map tensors; arange partition covers all atoms exactly once)
    crystal_atom_idx = jnp.arange(N_ATOMS, dtype=jnp.int32).reshape(N_CRYSTALS, ATOMS_PER_CRYSTAL)
    # nn.Linear(atom_bond_fea_len, 1) parameters
    bound = 1.0 / np.sqrt(FEA_LEN)
    W = jax.random.uniform(k2, (1, FEA_LEN), dtype=jnp.float32, minval=-bound, maxval=bound)
    b = jax.random.uniform(k3, (1,), dtype=jnp.float32, minval=-bound, maxval=bound)
    return {"atom_bond_fea": atom_bond_fea, "crystal_atom_idx": crystal_atom_idx, "W": W, "b": b}


def reference(atom_bond_fea, crystal_atom_idx, W, b):
    # Local_Energy = self.local_energy(atom_bond_fea)
    local_energy = atom_bond_fea @ W.T + b  # [N, 1]
    # pooling: mean of local_energy[idx_map] per crystal, concatenated over crystals
    gathered = jnp.take(local_energy, crystal_atom_idx, axis=0)  # [N0, A, 1]
    voltage = jnp.mean(gathered, axis=1)  # [N0, 1]
    return (voltage, local_energy)

if __name__ == "__main__":
    import jax
    _d = setup_inputs()
    print(jax.jit(kernel)(*tuple(_d.values())))

</pallas_src>

<mosaic_0001>
#map = affine_map<(d0, d1) -> (0)>
module attributes {stable_mosaic.version = 14 : i64} {
  func.func @volt_kernel(%arg0: i32, %arg1: i32, %arg2: memref<800000xf32, #tpu.memory_space<hbm>>, %arg3: memref<2000xf32, #tpu.memory_space<hbm>>, %arg4: memref<25600xf32, #tpu.memory_space<vmem>>, %arg5: memref<64xf32, #tpu.memory_space<vmem>>) attributes {dimension_semantics = [#tpu.dimension_semantics<core_parallel>, #tpu.dimension_semantics<subcore_parallel>], iteration_bounds = array<i64: 2, 16>, scalar_prefetch = 0 : i64, scratch_operands = 2 : i64, tpu.core_type = #tpu.core_type<sc_vector_subcore>, window_params = [{transform_indices = #map}, {transform_indices = #map}]} {
    %mul3A = arith.constant 2 : i32
    %mul3A_0 = arith.muli %arg1, %mul3A : i32
    %add3A = arith.addi %mul3A_0, %arg0 : i32
    %iota3A = tpu.iota {dimensions = array<i32: 0>} : vector<16xi32>
    %mul3A_1 = arith.constant 64 : i32
    %mul3A_2 = arith.muli %add3A, %mul3A_1 : i32
    %lt3A = arith.constant 31 : i32
    %lt3A_3 = arith.cmpi slt, %add3A, %lt3A : i32
    %convert_element_type3A = arith.extui %lt3A_3 : i1 to i32
    %cond3A = arith.constant 0 : i32
    %cond3A_4 = arith.cmpi ne, %convert_element_type3A, %cond3A : i32
    scf.if %cond3A_4 {
      %mul3A_9 = arith.constant 400 : i32
      %mul3A_10 = arith.muli %mul3A_2, %mul3A_9 : i32
      "tpu.region"() ({
        %run_scoped3A = tpu.sem_alloc : memref<!tpu.dma_semaphore, #tpu.memory_space<semaphore_mem>>
        %dma_start3A = tpu.memref_slice %arg2[%mul3A_10] : memref<800000xf32, #tpu.memory_space<hbm>> -> memref<25600xf32, #tpu.memory_space<hbm>>
        %dma_start3A_17 = tpu.memref_slice %arg2[%mul3A_10] : memref<800000xf32, #tpu.memory_space<hbm>> -> memref<25600xf32, #tpu.memory_space<hbm>>
        tpu.enqueue_dma source(%dma_start3A_17 : memref<25600xf32, #tpu.memory_space<hbm>>) target(%arg4 : memref<25600xf32, #tpu.memory_space<vmem>>) target_semaphore(%run_scoped3A : memref<!tpu.dma_semaphore, #tpu.memory_space<semaphore_mem>>)
        %dma_wait3A = tpu.memref_slice %arg2[%mul3A_10] : memref<800000xf32, #tpu.memory_space<hbm>> -> memref<25600xf32, #tpu.memory_space<hbm>>
        %dma_wait3A_18 = tpu.memref_slice %arg2[%mul3A_10] : memref<800000xf32, #tpu.memory_space<hbm>> -> memref<25600xf32, #tpu.memory_space<hbm>>
        tpu.wait_dma2 semaphore(%run_scoped3A : memref<!tpu.dma_semaphore, #tpu.memory_space<semaphore_mem>>) src(%dma_wait3A_18 : memref<25600xf32, #tpu.memory_space<hbm>>) dst(%arg4 : memref<25600xf32, #tpu.memory_space<vmem>>)
        tpu.yield
      }) : () -> ()
      %scan3A = arith.constant 0 : i32
      %scan3A_11 = arith.constant 0 : i32
      %scan3A_12 = arith.constant 4 : i32
      %scan3A_13 = arith.addi %scan3A_11, %scan3A_12 : i32
      %scan3A_14 = arith.constant 1 : i32
      %scan3A_15 = scf.for %scan3A_17 = %scan3A_11 to %scan3A_13 step %scan3A_14 iter_args(%scan3A_18 = %scan3A) -> (i32)  : i32 {
        %broadcast_in_dim3A = arith.constant 0.000000e+00 : f32
        %broadcast_in_dim3A_19 = vector.broadcast %broadcast_in_dim3A : f32 to vector<16xf32>
        %scan3A_20 = arith.constant 0 : i32
        %scan3A_21 = arith.constant 16 : i32
        %scan3A_22 = arith.addi %scan3A_20, %scan3A_21 : i32
        %scan3A_23 = arith.constant 1 : i32
        %scan3A_24 = scf.for %scan3A_33 = %scan3A_20 to %scan3A_22 step %scan3A_23 iter_args(%scan3A_34 = %broadcast_in_dim3A_19) -> (vector<16xf32>)  : i32 {
          %mul3A_35 = arith.constant 16 : i32
          %mul3A_36 = arith.muli %scan3A_17, %mul3A_35 : i32
          %add3A_37 = arith.addi %mul3A_36, %scan3A_33 : i32
          %mul3A_38 = arith.constant 400 : i32
          %mul3A_39 = arith.muli %add3A_37, %mul3A_38 : i32
          %get3A = arith.index_cast %mul3A_39 : i32 to index
          %get3A_40 = tpu.vector_load %arg4[%get3A] {strides = array<i32>} : memref<25600xf32, #tpu.memory_space<vmem>>, vector<16xf32>,
          %add3A_41 = arith.constant 16 : i32
          %add3A_42 = arith.addi %mul3A_39, %add3A_41 : i32
          %get3A_43 = arith.index_cast %add3A_42 : i32 to index
          %get3A_44 = tpu.vector_load %arg4[%get3A_43] {strides = array<i32>} : memref<25600xf32, #tpu.memory_space<vmem>>, vector<16xf32>,
          %add3A_45 = arith.addf %get3A_40, %get3A_44 : vector<16xf32>
          %add3A_46 = arith.constant 32 : i32
          %add3A_47 = arith.addi %mul3A_39, %add3A_46 : i32
          %get3A_48 = arith.index_cast %add3A_47 : i32 to index
          %get3A_49 = tpu.vector_load %arg4[%get3A_48] {strides = array<i32>} : memref<25600xf32, #tpu.memory_space<vmem>>, vector<16xf32>,
          %add3A_50 = arith.addf %add3A_45, %get3A_49 : vector<16xf32>
          %add3A_51 = arith.constant 48 : i32
          %add3A_52 = arith.addi %mul3A_39, %add3A_51 : i32
          %get3A_53 = arith.index_cast %add3A_52 : i32 to index
          %get3A_54 = tpu.vector_load %arg4[%get3A_53] {strides = array<i32>} : memref<25600xf32, #tpu.memory_space<vmem>>, vector<16xf32>,
          %add3A_55 = arith.addf %add3A_50, %get3A_54 : vector<16xf32>
          %add3A_56 = arith.constant 64 : i32
          %add3A_57 = arith.addi %mul3A_39, %add3A_56 : i32
          %get3A_58 = arith.index_cast %add3A_57 : i32 to index
          %get3A_59 = tpu.vector_load %arg4[%get3A_58] {strides = array<i32>} : memref<25600xf32, #tpu.memory_space<vmem>>, vector<16xf32>,
          %add3A_60 = arith.addf %add3A_55, %get3A_59 : vector<16xf32>
          %add3A_61 = arith.constant 80 : i32
          %add3A_62 = arith.addi %mul3A_39, %add3A_61 : i32
          %get3A_63 = arith.index_cast %add3A_62 : i32 to index
          %get3A_64 = tpu.vector_load %arg4[%get3A_63] {strides = array<i32>} : memref<25600xf32, #tpu.memory_space<vmem>>, vector<16xf32>,
          %add3A_65 = arith.addf %add3A_60, %get3A_64 : vector<16xf32>
          %add3A_66 = arith.constant 96 : i32
          %add3A_67 = arith.addi %mul3A_39, %add3A_66 : i32
          %get3A_68 = arith.index_cast %add3A_67 : i32 to index
          %get3A_69 = tpu.vector_load %arg4[%get3A_68] {strides = array<i32>} : memref<25600xf32, #tpu.memory_space<vmem>>, vector<16xf32>,
          %add3A_70 = arith.addf %add3A_65, %get3A_69 : vector<16xf32>
          %add3A_71 = arith.constant 112 : i32
          %add3A_72 = arith.addi %mul3A_39, %add3A_71 : i32
          %get3A_73 = arith.index_cast %add3A_72 : i32 to index
          %get3A_74 = tpu.vector_load %arg4[%get3A_73] {strides = array<i32>} : memref<25600xf32, #tpu.memory_space<vmem>>, vector<16xf32>,
          %add3A_75 = arith.addf %add3A_70, %get3A_74 : vector<16xf32>
          %add3A_76 = arith.constant 128 : i32
          %add3A_77 = arith.addi %mul3A_39, %add3A_76 : i32
          %get3A_78 = arith.index_cast %add3A_77 : i32 to index
          %get3A_79 = tpu.vector_load %arg4[%get3A_78] {strides = array<i32>} : memref<25600xf32, #tpu.memory_space<vmem>>, vector<16xf32>,
          %add3A_80 = arith.addf %add3A_75, %get3A_79 : vector<16xf32>
          %add3A_81 = arith.constant 144 : i32
          %add3A_82 = arith.addi %mul3A_39, %add3A_81 : i32
          %get3A_83 = arith.index_cast %add3A_82 : i32 to index
          %get3A_84 = tpu.vector_load %arg4[%get3A_83] {strides = array<i32>} : memref<25600xf32, #tpu.memory_space<vmem>>, vector<16xf32>,
          %add3A_85 = arith.addf %add3A_80, %get3A_84 : vector<16xf32>
          %add3A_86 = arith.constant 160 : i32
          %add3A_87 = arith.addi %mul3A_39, %add3A_86 : i32
          %get3A_88 = arith.index_cast %add3A_87 : i32 to index
          %get3A_89 = tpu.vector_load %arg4[%get3A_88] {strides = array<i32>} : memref<25600xf32, #tpu.memory_space<vmem>>, vector<16xf32>,
          %add3A_90 = arith.addf %add3A_85, %get3A_89 : vector<16xf32>
          %add3A_91 = arith.constant 176 : i32
          %add3A_92 = arith.addi %mul3A_39, %add3A_91 : i32
          %get3A_93 = arith.index_cast %add3A_92 : i32 to index
          %get3A_94 = tpu.vector_load %arg4[%get3A_93] {strides = array<i32>} : memref<25600xf32, #tpu.memory_space<vmem>>, vector<16xf32>,
          %add3A_95 = arith.addf %add3A_90, %get3A_94 : vector<16xf32>
          %add3A_96 = arith.constant 192 : i32
          %add3A_97 = arith.addi %mul3A_39, %add3A_96 : i32
          %get3A_98 = arith.index_cast %add3A_97 : i32 to index
          %get3A_99 = tpu.vector_load %arg4[%get3A_98] {strides = array<i32>} : memref<25600xf32, #tpu.memory_space<vmem>>, vector<16xf32>,
          %add3A_100 = arith.addf %add3A_95, %get3A_99 : vector<16xf32>
          %add3A_101 = arith.constant 208 : i32
          %add3A_102 = arith.addi %mul3A_39, %add3A_101 : i32
          %get3A_103 = arith.index_cast %add3A_102 : i32 to index
          %get3A_104 = tpu.vector_load %arg4[%get3A_103] {strides = array<i32>} : memref<25600xf32, #tpu.memory_space<vmem>>, vector<16xf32>,
          %add3A_105 = arith.addf %add3A_100, %get3A_104 : vector<16xf32>
          %add3A_106 = arith.constant 224 : i32
          %add3A_107 = arith.addi %mul3A_39, %add3A_106 : i32
          %get3A_108 = arith.index_cast %add3A_107 : i32 to index
          %get3A_109 = tpu.vector_load %arg4[%get3A_108] {strides = array<i32>} : memref<25600xf32, #tpu.memory_space<vmem>>, vector<16xf32>,
          %add3A_110 = arith.addf %add3A_105, %get3A_109 : vector<16xf32>
          %add3A_111 = arith.constant 240 : i32
          %add3A_112 = arith.addi %mul3A_39, %add3A_111 : i32
          %get3A_113 = arith.index_cast %add3A_112 : i32 to index
          %get3A_114 = tpu.vector_load %arg4[%get3A_113] {strides = array<i32>} : memref<25600xf32, #tpu.memory_space<vmem>>, vector<16xf32>,
          %add3A_115 = arith.addf %add3A_110, %get3A_114 : vector<16xf32>
          %add3A_116 = arith.constant 256 : i32
          %add3A_117 = arith.addi %mul3A_39, %add3A_116 : i32
          %get3A_118 = arith.index_cast %add3A_117 : i32 to index
          %get3A_119 = tpu.vector_load %arg4[%get3A_118] {strides = array<i32>} : memref<25600xf32, #tpu.memory_space<vmem>>, vector<16xf32>,
          %add3A_120 = arith.addf %add3A_115, %get3A_119 : vector<16xf32>
          %add3A_121 = arith.constant 272 : i32
          %add3A_122 = arith.addi %mul3A_39, %add3A_121 : i32
          %get3A_123 = arith.index_cast %add3A_122 : i32 to index
          %get3A_124 = tpu.vector_load %arg4[%get3A_123] {strides = array<i32>} : memref<25600xf32, #tpu.memory_space<vmem>>, vector<16xf32>,
          %add3A_125 = arith.addf %add3A_120, %get3A_124 : vector<16xf32>
          %add3A_126 = arith.constant 288 : i32
          %add3A_127 = arith.addi %mul3A_39, %add3A_126 : i32
          %get3A_128 = arith.index_cast %add3A_127 : i32 to index
          %get3A_129 = tpu.vector_load %arg4[%get3A_128] {strides = array<i32>} : memref<25600xf32, #tpu.memory_space<vmem>>, vector<16xf32>,
          %add3A_130 = arith.addf %add3A_125, %get3A_129 : vector<16xf32>
          %add3A_131 = arith.constant 304 : i32
          %add3A_132 = arith.addi %mul3A_39, %add3A_131 : i32
          %get3A_133 = arith.index_cast %add3A_132 : i32 to index
          %get3A_134 = tpu.vector_load %arg4[%get3A_133] {strides = array<i32>} : memref<25600xf32, #tpu.memory_space<vmem>>, vector<16xf32>,
          %add3A_135 = arith.addf %add3A_130, %get3A_134 : vector<16xf32>
          %add3A_136 = arith.constant 320 : i32
          %add3A_137 = arith.addi %mul3A_39, %add3A_136 : i32
          %get3A_138 = arith.index_cast %add3A_137 : i32 to index
          %get3A_139 = tpu.vector_load %arg4[%get3A_138] {strides = array<i32>} : memref<25600xf32, #tpu.memory_space<vmem>>, vector<16xf32>,
          %add3A_140 = arith.addf %add3A_135, %get3A_139 : vector<16xf32>
          %add3A_141 = arith.constant 336 : i32
          %add3A_142 = arith.addi %mul3A_39, %add3A_141 : i32
          %get3A_143 = arith.index_cast %add3A_142 : i32 to index
          %get3A_144 = tpu.vector_load %arg4[%get3A_143] {strides = array<i32>} : memref<25600xf32, #tpu.memory_space<vmem>>, vector<16xf32>,
          %add3A_145 = arith.addf %add3A_140, %get3A_144 : vector<16xf32>
          %add3A_146 = arith.constant 352 : i32
          %add3A_147 = arith.addi %mul3A_39, %add3A_146 : i32
          %get3A_148 = arith.index_cast %add3A_147 : i32 to index
          %get3A_149 = tpu.vector_load %arg4[%get3A_148] {strides = array<i32>} : memref<25600xf32, #tpu.memory_space<vmem>>, vector<16xf32>,
          %add3A_150 = arith.addf %add3A_145, %get3A_149 : vector<16xf32>
          %add3A_151 = arith.constant 368 : i32
          %add3A_152 = arith.addi %mul3A_39, %add3A_151 : i32
          %get3A_153 = arith.index_cast %add3A_152 : i32 to index
          %get3A_154 = tpu.vector_load %arg4[%get3A_153] {strides = array<i32>} : memref<25600xf32, #tpu.memory_space<vmem>>, vector<16xf32>,
          %add3A_155 = arith.addf %add3A_150, %get3A_154 : vector<16xf32>
          %add3A_156 = arith.constant 384 : i32
          %add3A_157 = arith.addi %mul3A_39, %add3A_156 : i32
          %get3A_158 = arith.index_cast %add3A_157 : i32 to index
          %get3A_159 = tpu.vector_load %arg4[%get3A_158] {strides = array<i32>} : memref<25600xf32, #tpu.memory_space<vmem>>, vector<16xf32>,
          %add3A_160 = arith.addf %add3A_155, %get3A_159 : vector<16xf32>
          %reduce_sum3A = arith.constant true
          %reduce_sum3A_161 = vector.broadcast %reduce_sum3A : i1 to vector<16xi1>
          %reduce_sum3A_162 = tpu.scan <sum>, %add3A_160 masked %reduce_sum3A_161 : vector<16xf32>, vector<16xi1> -> vector<16xf32>
          %reduce_sum3A_163 = vector.extract %reduce_sum3A_162[15] : f32 from vector<16xf32>
          %eq3A_164 = vector.broadcast %scan3A_33 : i32 to vector<16xi32>
          %eq3A_165 = arith.cmpi eq, %iota3A, %eq3A_164 : vector<16xi32>
          %broadcast_in_dim3A_166 = vector.broadcast %reduce_sum3A_163 : f32 to vector<16xf32>
          %select_n3A = arith.select %eq3A_165, %broadcast_in_dim3A_166, %scan3A_34 : vector<16xi1>, vector<16xf32>
          scf.yield %select_n3A : vector<16xf32>
        }
        %scan3A_25 = arith.constant 16 : i32
        %mul3A_26 = arith.constant 2.500000e-03 : f32
        %mul3A_27 = vector.broadcast %mul3A_26 : f32 to vector<16xf32>
        %mul3A_28 = arith.mulf %scan3A_24, %mul3A_27 : vector<16xf32>
        %mul3A_29 = arith.constant 16 : i32
        %mul3A_30 = arith.muli %scan3A_17, %mul3A_29 : i32
        %swap3A = arith.index_cast %mul3A_30 : i32 to index
        %swap3A_31 = tpu.vector_load %arg5[%swap3A] {strides = array<i32>} : memref<64xf32, #tpu.memory_space<vmem>>, vector<16xf32>,
        tpu.vector_store %arg5[%swap3A], %mul3A_28 {strides = array<i32>} : memref<64xf32, #tpu.memory_space<vmem>>, vector<16xf32>,
        %scan3A_32 = arith.constant 0 : i32
        scf.yield %scan3A_32 : i32
      }
      %scan3A_16 = arith.constant 4 : i32
      "tpu.region"() ({
        %run_scoped3A = tpu.sem_alloc : memref<!tpu.dma_semaphore, #tpu.memory_space<semaphore_mem>>
        %dma_start3A = tpu.memref_slice %arg3[%mul3A_2] : memref<2000xf32, #tpu.memory_space<hbm>> -> memref<64xf32, #tpu.memory_space<hbm>>
        %dma_start3A_17 = tpu.memref_slice %arg3[%mul3A_2] : memref<2000xf32, #tpu.memory_space<hbm>> -> memref<64xf32, #tpu.memory_space<hbm>>
        tpu.enqueue_dma source(%arg5 : memref<64xf32, #tpu.memory_space<vmem>>) target(%dma_start3A_17 : memref<64xf32, #tpu.memory_space<hbm>>) target_semaphore(%run_scoped3A : memref<!tpu.dma_semaphore, #tpu.memory_space<semaphore_mem>>)
        %dma_wait3A = tpu.memref_slice %arg3[%mul3A_2] : memref<2000xf32, #tpu.memory_space<hbm>> -> memref<64xf32, #tpu.memory_space<hbm>>
        %dma_wait3A_18 = tpu.memref_slice %arg3[%mul3A_2] : memref<2000xf32, #tpu.memory_space<hbm>> -> memref<64xf32, #tpu.memory_space<hbm>>
        tpu.wait_dma2 semaphore(%run_scoped3A : memref<!tpu.dma_semaphore, #tpu.memory_space<semaphore_mem>>) src(%arg5 : memref<64xf32, #tpu.memory_space<vmem>>) dst(%dma_wait3A_18 : memref<64xf32, #tpu.memory_space<hbm>>)
        tpu.yield
      }) : () -> ()
    } else {
    }
    %eq3A = arith.constant 31 : i32
    %eq3A_5 = arith.cmpi eq, %add3A, %eq3A : i32
    %convert_element_type3A_6 = arith.extui %eq3A_5 : i1 to i32
    %cond3A_7 = arith.constant 0 : i32
    %cond3A_8 = arith.cmpi ne, %convert_element_type3A_6, %cond3A_7 : i32
    scf.if %cond3A_8 {
      %mul3A_9 = arith.constant 400 : i32
      %mul3A_10 = arith.muli %mul3A_2, %mul3A_9 : i32
      "tpu.region"() ({
        %run_scoped3A = tpu.sem_alloc : memref<!tpu.dma_semaphore, #tpu.memory_space<semaphore_mem>>
        %dma_start3A = arith.constant 0 : i32
        %dma_start3A_27 = tpu.memref_slice %arg4[%dma_start3A] : memref<25600xf32, #tpu.memory_space<vmem>> -> memref<6400xf32, #tpu.memory_space<vmem>>
        %dma_start3A_28 = tpu.memref_slice %arg2[%mul3A_10] : memref<800000xf32, #tpu.memory_space<hbm>> -> memref<6400xf32, #tpu.memory_space<hbm>>
        %dma_start3A_29 = arith.constant 0 : i32
        %dma_start3A_30 = tpu.memref_slice %arg4[%dma_start3A_29] : memref<25600xf32, #tpu.memory_space<vmem>> -> memref<6400xf32, #tpu.memory_space<vmem>>
        %dma_start3A_31 = tpu.memref_slice %arg2[%mul3A_10] : memref<800000xf32, #tpu.memory_space<hbm>> -> memref<6400xf32, #tpu.memory_space<hbm>>
        tpu.enqueue_dma source(%dma_start3A_31 : memref<6400xf32, #tpu.memory_space<hbm>>) target(%dma_start3A_30 : memref<6400xf32, #tpu.memory_space<vmem>>) target_semaphore(%run_scoped3A : memref<!tpu.dma_semaphore, #tpu.memory_space<semaphore_mem>>)
        %dma_wait3A = arith.constant 0 : i32
        %dma_wait3A_32 = tpu.memref_slice %arg4[%dma_wait3A] : memref<25600xf32, #tpu.memory_space<vmem>> -> memref<6400xf32, #tpu.memory_space<vmem>>
        %dma_wait3A_33 = tpu.memref_slice %arg2[%mul3A_10] : memref<800000xf32, #tpu.memory_space<hbm>> -> memref<6400xf32, #tpu.memory_space<hbm>>
        %dma_wait3A_34 = arith.constant 0 : i32
        %dma_wait3A_35 = tpu.memref_slice %arg4[%dma_wait3A_34] : memref<25600xf32, #tpu.memory_space<vmem>> -> memref<6400xf32, #tpu.memory_space<vmem>>
        %dma_wait3A_36 = tpu.memref_slice %arg2[%mul3A_10] : memref<800000xf32, #tpu.memory_space<hbm>> -> memref<6400xf32, #tpu.memory_space<hbm>>
        tpu.wait_dma2 semaphore(%run_scoped3A : memref<!tpu.dma_semaphore, #tpu.memory_space<semaphore_mem>>) src(%dma_wait3A_36 : memref<6400xf32, #tpu.memory_space<hbm>>) dst(%dma_wait3A_35 : memref<6400xf32, #tpu.memory_space<vmem>>)
        tpu.yield
      }) : () -> ()
      %scan3A = arith.constant 0 : i32
      %scan3A_11 = arith.constant 0 : i32
      %broadcast_in_dim3A = arith.constant 0.000000e+00 : f32
      %broadcast_in_dim3A_12 = vector.broadcast %broadcast_in_dim3A : f32 to vector<16xf32>
      %scan3A_13 = arith.constant 0 : i32
      %scan3A_14 = arith.constant 16 : i32
      %scan3A_15 = arith.addi %scan3A_13, %scan3A_14 : i32
      %scan3A_16 = arith.constant 1 : i32
      %scan3A_17 = scf.for %scan3A_27 = %scan3A_13 to %scan3A_15 step %scan3A_16 iter_args(%scan3A_28 = %broadcast_in_dim3A_12) -> (vector<16xf32>)  : i32 {
        %mul3A_29 = arith.constant 16 : i32
        %mul3A_30 = arith.muli %scan3A_11, %mul3A_29 : i32
        %add3A_31 = arith.addi %mul3A_30, %scan3A_27 : i32
        %mul3A_32 = arith.constant 400 : i32
        %mul3A_33 = arith.muli %add3A_31, %mul3A_32 : i32
        %get3A = arith.index_cast %mul3A_33 : i32 to index
        %get3A_34 = tpu.vector_load %arg4[%get3A] {strides = array<i32>} : memref<25600xf32, #tpu.memory_space<vmem>>, vector<16xf32>,
        %add3A_35 = arith.constant 16 : i32
        %add3A_36 = arith.addi %mul3A_33, %add3A_35 : i32
        %get3A_37 = arith.index_cast %add3A_36 : i32 to index
        %get3A_38 = tpu.vector_load %arg4[%get3A_37] {strides = array<i32>} : memref<25600xf32, #tpu.memory_space<vmem>>, vector<16xf32>,
        %add3A_39 = arith.addf %get3A_34, %get3A_38 : vector<16xf32>
        %add3A_40 = arith.constant 32 : i32
        %add3A_41 = arith.addi %mul3A_33, %add3A_40 : i32
        %get3A_42 = arith.index_cast %add3A_41 : i32 to index
        %get3A_43 = tpu.vector_load %arg4[%get3A_42] {strides = array<i32>} : memref<25600xf32, #tpu.memory_space<vmem>>, vector<16xf32>,
        %add3A_44 = arith.addf %add3A_39, %get3A_43 : vector<16xf32>
        %add3A_45 = arith.constant 48 : i32
        %add3A_46 = arith.addi %mul3A_33, %add3A_45 : i32
        %get3A_47 = arith.index_cast %add3A_46 : i32 to index
        %get3A_48 = tpu.vector_load %arg4[%get3A_47] {strides = array<i32>} : memref<25600xf32, #tpu.memory_space<vmem>>, vector<16xf32>,
        %add3A_49 = arith.addf %add3A_44, %get3A_48 : vector<16xf32>
        %add3A_50 = arith.constant 64 : i32
        %add3A_51 = arith.addi %mul3A_33, %add3A_50 : i32
        %get3A_52 = arith.index_cast %add3A_51 : i32 to index
        %get3A_53 = tpu.vector_load %arg4[%get3A_52] {strides = array<i32>} : memref<25600xf32, #tpu.memory_space<vmem>>, vector<16xf32>,
        %add3A_54 = arith.addf %add3A_49, %get3A_53 : vector<16xf32>
        %add3A_55 = arith.constant 80 : i32
        %add3A_56 = arith.addi %mul3A_33, %add3A_55 : i32
        %get3A_57 = arith.index_cast %add3A_56 : i32 to index
        %get3A_58 = tpu.vector_load %arg4[%get3A_57] {strides = array<i32>} : memref<25600xf32, #tpu.memory_space<vmem>>, vector<16xf32>,
        %add3A_59 = arith.addf %add3A_54, %get3A_58 : vector<16xf32>
        %add3A_60 = arith.constant 96 : i32
        %add3A_61 = arith.addi %mul3A_33, %add3A_60 : i32
        %get3A_62 = arith.index_cast %add3A_61 : i32 to index
        %get3A_63 = tpu.vector_load %arg4[%get3A_62] {strides = array<i32>} : memref<25600xf32, #tpu.memory_space<vmem>>, vector<16xf32>,
        %add3A_64 = arith.addf %add3A_59, %get3A_63 : vector<16xf32>
        %add3A_65 = arith.constant 112 : i32
        %add3A_66 = arith.addi %mul3A_33, %add3A_65 : i32
        %get3A_67 = arith.index_cast %add3A_66 : i32 to index
        %get3A_68 = tpu.vector_load %arg4[%get3A_67] {strides = array<i32>} : memref<25600xf32, #tpu.memory_space<vmem>>, vector<16xf32>,
        %add3A_69 = arith.addf %add3A_64, %get3A_68 : vector<16xf32>
        %add3A_70 = arith.constant 128 : i32
        %add3A_71 = arith.addi %mul3A_33, %add3A_70 : i32
        %get3A_72 = arith.index_cast %add3A_71 : i32 to index
        %get3A_73 = tpu.vector_load %arg4[%get3A_72] {strides = array<i32>} : memref<25600xf32, #tpu.memory_space<vmem>>, vector<16xf32>,
        %add3A_74 = arith.addf %add3A_69, %get3A_73 : vector<16xf32>
        %add3A_75 = arith.constant 144 : i32
        %add3A_76 = arith.addi %mul3A_33, %add3A_75 : i32
        %get3A_77 = arith.index_cast %add3A_76 : i32 to index
        %get3A_78 = tpu.vector_load %arg4[%get3A_77] {strides = array<i32>} : memref<25600xf32, #tpu.memory_space<vmem>>, vector<16xf32>,
        %add3A_79 = arith.addf %add3A_74, %get3A_78 : vector<16xf32>
        %add3A_80 = arith.constant 160 : i32
        %add3A_81 = arith.addi %mul3A_33, %add3A_80 : i32
        %get3A_82 = arith.index_cast %add3A_81 : i32 to index
        %get3A_83 = tpu.vector_load %arg4[%get3A_82] {strides = array<i32>} : memref<25600xf32, #tpu.memory_space<vmem>>, vector<16xf32>,
        %add3A_84 = arith.addf %add3A_79, %get3A_83 : vector<16xf32>
        %add3A_85 = arith.constant 176 : i32
        %add3A_86 = arith.addi %mul3A_33, %add3A_85 : i32
        %get3A_87 = arith.index_cast %add3A_86 : i32 to index
        %get3A_88 = tpu.vector_load %arg4[%get3A_87] {strides = array<i32>} : memref<25600xf32, #tpu.memory_space<vmem>>, vector<16xf32>,
        %add3A_89 = arith.addf %add3A_84, %get3A_88 : vector<16xf32>
        %add3A_90 = arith.constant 192 : i32
        %add3A_91 = arith.addi %mul3A_33, %add3A_90 : i32
        %get3A_92 = arith.index_cast %add3A_91 : i32 to index
        %get3A_93 = tpu.vector_load %arg4[%get3A_92] {strides = array<i32>} : memref<25600xf32, #tpu.memory_space<vmem>>, vector<16xf32>,
        %add3A_94 = arith.addf %add3A_89, %get3A_93 : vector<16xf32>
        %add3A_95 = arith.constant 208 : i32
        %add3A_96 = arith.addi %mul3A_33, %add3A_95 : i32
        %get3A_97 = arith.index_cast %add3A_96 : i32 to index
        %get3A_98 = tpu.vector_load %arg4[%get3A_97] {strides = array<i32>} : memref<25600xf32, #tpu.memory_space<vmem>>, vector<16xf32>,
        %add3A_99 = arith.addf %add3A_94, %get3A_98 : vector<16xf32>
        %add3A_100 = arith.constant 224 : i32
        %add3A_101 = arith.addi %mul3A_33, %add3A_100 : i32
        %get3A_102 = arith.index_cast %add3A_101 : i32 to index
        %get3A_103 = tpu.vector_load %arg4[%get3A_102] {strides = array<i32>} : memref<25600xf32, #tpu.memory_space<vmem>>, vector<16xf32>,
        %add3A_104 = arith.addf %add3A_99, %get3A_103 : vector<16xf32>
        %add3A_105 = arith.constant 240 : i32
        %add3A_106 = arith.addi %mul3A_33, %add3A_105 : i32
        %get3A_107 = arith.index_cast %add3A_106 : i32 to index
        %get3A_108 = tpu.vector_load %arg4[%get3A_107] {strides = array<i32>} : memref<25600xf32, #tpu.memory_space<vmem>>, vector<16xf32>,
        %add3A_109 = arith.addf %add3A_104, %get3A_108 : vector<16xf32>
        %add3A_110 = arith.constant 256 : i32
        %add3A_111 = arith.addi %mul3A_33, %add3A_110 : i32
        %get3A_112 = arith.index_cast %add3A_111 : i32 to index
        %get3A_113 = tpu.vector_load %arg4[%get3A_112] {strides = array<i32>} : memref<25600xf32, #tpu.memory_space<vmem>>, vector<16xf32>,
        %add3A_114 = arith.addf %add3A_109, %get3A_113 : vector<16xf32>
        %add3A_115 = arith.constant 272 : i32
        %add3A_116 = arith.addi %mul3A_33, %add3A_115 : i32
        %get3A_117 = arith.index_cast %add3A_116 : i32 to index
        %get3A_118 = tpu.vector_load %arg4[%get3A_117] {strides = array<i32>} : memref<25600xf32, #tpu.memory_space<vmem>>, vector<16xf32>,
        %add3A_119 = arith.addf %add3A_114, %get3A_118 : vector<16xf32>
        %add3A_120 = arith.constant 288 : i32
        %add3A_121 = arith.addi %mul3A_33, %add3A_120 : i32
        %get3A_122 = arith.index_cast %add3A_121 : i32 to index
        %get3A_123 = tpu.vector_load %arg4[%get3A_122] {strides = array<i32>} : memref<25600xf32, #tpu.memory_space<vmem>>, vector<16xf32>,
        %add3A_124 = arith.addf %add3A_119, %get3A_123 : vector<16xf32>
        %add3A_125 = arith.constant 304 : i32
        %add3A_126 = arith.addi %mul3A_33, %add3A_125 : i32
        %get3A_127 = arith.index_cast %add3A_126 : i32 to index
        %get3A_128 = tpu.vector_load %arg4[%get3A_127] {strides = array<i32>} : memref<25600xf32, #tpu.memory_space<vmem>>, vector<16xf32>,
        %add3A_129 = arith.addf %add3A_124, %get3A_128 : vector<16xf32>
        %add3A_130 = arith.constant 320 : i32
        %add3A_131 = arith.addi %mul3A_33, %add3A_130 : i32
        %get3A_132 = arith.index_cast %add3A_131 : i32 to index
        %get3A_133 = tpu.vector_load %arg4[%get3A_132] {strides = array<i32>} : memref<25600xf32, #tpu.memory_space<vmem>>, vector<16xf32>,
        %add3A_134 = arith.addf %add3A_129, %get3A_133 : vector<16xf32>
        %add3A_135 = arith.constant 336 : i32
        %add3A_136 = arith.addi %mul3A_33, %add3A_135 : i32
        %get3A_137 = arith.index_cast %add3A_136 : i32 to index
        %get3A_138 = tpu.vector_load %arg4[%get3A_137] {strides = array<i32>} : memref<25600xf32, #tpu.memory_space<vmem>>, vector<16xf32>,
        %add3A_139 = arith.addf %add3A_134, %get3A_138 : vector<16xf32>
        %add3A_140 = arith.constant 352 : i32
        %add3A_141 = arith.addi %mul3A_33, %add3A_140 : i32
        %get3A_142 = arith.index_cast %add3A_141 : i32 to index
        %get3A_143 = tpu.vector_load %arg4[%get3A_142] {strides = array<i32>} : memref<25600xf32, #tpu.memory_space<vmem>>, vector<16xf32>,
        %add3A_144 = arith.addf %add3A_139, %get3A_143 : vector<16xf32>
        %add3A_145 = arith.constant 368 : i32
        %add3A_146 = arith.addi %mul3A_33, %add3A_145 : i32
        %get3A_147 = arith.index_cast %add3A_146 : i32 to index
        %get3A_148 = tpu.vector_load %arg4[%get3A_147] {strides = array<i32>} : memref<25600xf32, #tpu.memory_space<vmem>>, vector<16xf32>,
        %add3A_149 = arith.addf %add3A_144, %get3A_148 : vector<16xf32>
        %add3A_150 = arith.constant 384 : i32
        %add3A_151 = arith.addi %mul3A_33, %add3A_150 : i32
        %get3A_152 = arith.index_cast %add3A_151 : i32 to index
        %get3A_153 = tpu.vector_load %arg4[%get3A_152] {strides = array<i32>} : memref<25600xf32, #tpu.memory_space<vmem>>, vector<16xf32>,
        %add3A_154 = arith.addf %add3A_149, %get3A_153 : vector<16xf32>
        %reduce_sum3A = arith.constant true
        %reduce_sum3A_155 = vector.broadcast %reduce_sum3A : i1 to vector<16xi1>
        %reduce_sum3A_156 = tpu.scan <sum>, %add3A_154 masked %reduce_sum3A_155 : vector<16xf32>, vector<16xi1> -> vector<16xf32>
        %reduce_sum3A_157 = vector.extract %reduce_sum3A_156[15] : f32 from vector<16xf32>
        %eq3A_158 = vector.broadcast %scan3A_27 : i32 to vector<16xi32>
        %eq3A_159 = arith.cmpi eq, %iota3A, %eq3A_158 : vector<16xi32>
        %broadcast_in_dim3A_160 = vector.broadcast %reduce_sum3A_157 : f32 to vector<16xf32>
        %select_n3A = arith.select %eq3A_159, %broadcast_in_dim3A_160, %scan3A_28 : vector<16xi1>, vector<16xf32>
        scf.yield %select_n3A : vector<16xf32>
      }
      %scan3A_18 = arith.constant 16 : i32
      %mul3A_19 = arith.constant 2.500000e-03 : f32
      %mul3A_20 = vector.broadcast %mul3A_19 : f32 to vector<16xf32>
      %mul3A_21 = arith.mulf %scan3A_17, %mul3A_20 : vector<16xf32>
      %mul3A_22 = arith.constant 16 : i32
      %mul3A_23 = arith.muli %scan3A_11, %mul3A_22 : i32
      %swap3A = arith.index_cast %mul3A_23 : i32 to index
      %swap3A_24 = tpu.vector_load %arg5[%swap3A] {strides = array<i32>} : memref<64xf32, #tpu.memory_space<vmem>>, vector<16xf32>,
      tpu.vector_store %arg5[%swap3A], %mul3A_21 {strides = array<i32>} : memref<64xf32, #tpu.memory_space<vmem>>, vector<16xf32>,
      %scan3A_25 = arith.constant 0 : i32
      %scan3A_26 = arith.constant 1 : i32
      "tpu.region"() ({
        %run_scoped3A = tpu.sem_alloc : memref<!tpu.dma_semaphore, #tpu.memory_space<semaphore_mem>>
        %dma_start3A = arith.constant 0 : i32
        %dma_start3A_27 = tpu.memref_slice %arg5[%dma_start3A] : memref<64xf32, #tpu.memory_space<vmem>> -> memref<16xf32, #tpu.memory_space<vmem>>
        %dma_start3A_28 = tpu.memref_slice %arg3[%mul3A_2] : memref<2000xf32, #tpu.memory_space<hbm>> -> memref<16xf32, #tpu.memory_space<hbm>>
        %dma_start3A_29 = tpu.memref_slice %arg3[%mul3A_2] : memref<2000xf32, #tpu.memory_space<hbm>> -> memref<16xf32, #tpu.memory_space<hbm>>
        %dma_start3A_30 = arith.constant 0 : i32
        %dma_start3A_31 = tpu.memref_slice %arg5[%dma_start3A_30] : memref<64xf32, #tpu.memory_space<vmem>> -> memref<16xf32, #tpu.memory_space<vmem>>
        tpu.enqueue_dma source(%dma_start3A_31 : memref<16xf32, #tpu.memory_space<vmem>>) target(%dma_start3A_29 : memref<16xf32, #tpu.memory_space<hbm>>) target_semaphore(%run_scoped3A : memref<!tpu.dma_semaphore, #tpu.memory_space<semaphore_mem>>)
        %dma_wait3A = arith.constant 0 : i32
        %dma_wait3A_32 = tpu.memref_slice %arg5[%dma_wait3A] : memref<64xf32, #tpu.memory_space<vmem>> -> memref<16xf32, #tpu.memory_space<vmem>>
        %dma_wait3A_33 = tpu.memref_slice %arg3[%mul3A_2] : memref<2000xf32, #tpu.memory_space<hbm>> -> memref<16xf32, #tpu.memory_space<hbm>>
        %dma_wait3A_34 = tpu.memref_slice %arg3[%mul3A_2] : memref<2000xf32, #tpu.memory_space<hbm>> -> memref<16xf32, #tpu.memory_space<hbm>>
        %dma_wait3A_35 = arith.constant 0 : i32
        %dma_wait3A_36 = tpu.memref_slice %arg5[%dma_wait3A_35] : memref<64xf32, #tpu.memory_space<vmem>> -> memref<16xf32, #tpu.memory_space<vmem>>
        tpu.wait_dma2 semaphore(%run_scoped3A : memref<!tpu.dma_semaphore, #tpu.memory_space<semaphore_mem>>) src(%dma_wait3A_36 : memref<16xf32, #tpu.memory_space<vmem>>) dst(%dma_wait3A_34 : memref<16xf32, #tpu.memory_space<hbm>>)
        tpu.yield
      }) : () -> ()
    } else {
    }
    return
  }
}

module attributes {stable_mosaic.version = 14 : i64} {
  func.func @_le_body(%arg0: i32, %arg1: memref<64x32000xf32, #tpu.memory_space<vmem>>, %arg2: memref<64x1xf32, #tpu.memory_space<vmem>>, %arg3: memref<1x1xf32, #tpu.memory_space<vmem>>, %arg4: memref<1x32000xf32, #tpu.memory_space<vmem>>) attributes {dimension_semantics = [#tpu.dimension_semantics<arbitrary>], iteration_bounds = array<i64: 25>, scalar_prefetch = 0 : i64, scratch_operands = 0 : i64, tpu.core_type = #tpu.core_type<tc>, window_params = [{transform_indices = @transform_0, window_bounds = array<i64: 64, 32000>}, {pipeline_mode = #tpu.pipeline_mode<synchronous>, transform_indices = @transform_1, window_bounds = array<i64: 64, 1>}, {pipeline_mode = #tpu.pipeline_mode<synchronous>, transform_indices = @transform_2, window_bounds = array<i64: 1, 1>}, {transform_indices = @transform_3, window_bounds = array<i64: 1, 32000>}]} {
    %get3A = arith.constant 0 : index
    %get3A_0 = arith.constant 0 : index
    %get3A_1 = vector.load %arg1[%get3A, %get3A_0] : memref<64x32000xf32, #tpu.memory_space<vmem>>, vector<64x32000xf32>
    %get3A_2 = arith.constant 0 : index
    %get3A_3 = arith.constant 0 : index
    %get3A_4 = vector.load %arg2[%get3A_2, %get3A_3] : memref<64x1xf32, #tpu.memory_space<vmem>>, vector<64x1xf32>
    %mul3A = vector.broadcast %get3A_4 : vector<64x1xf32> to vector<64x32000xf32>
    %mul3A_5 = arith.mulf %get3A_1, %mul3A : vector<64x32000xf32>
    %reduce_sum3A = arith.constant dense<0.000000e+00> : vector<32000xf32>
    %reduce_sum3A_6 = vector.multi_reduction <add>, %mul3A_5, %reduce_sum3A [0] : vector<64x32000xf32> to vector<32000xf32>
    %broadcast_in_dim3A = vector.shape_cast %reduce_sum3A_6 : vector<32000xf32> to vector<1x32000xf32>
    %get3A_7 = arith.constant 0 : index
    %get3A_8 = arith.constant 0 : index
    %get3A_9 = vector.load %arg3[%get3A_7, %get3A_8] : memref<1x1xf32, #tpu.memory_space<vmem>>, vector<1x1xf32>
    %get3A_10 = vector.extract %get3A_9[0, 0] : f32 from vector<1x1xf32>
    %add3A = vector.broadcast %get3A_10 : f32 to vector<1x32000xf32>
    %add3A_11 = arith.addf %broadcast_in_dim3A, %add3A : vector<1x32000xf32>
    %swap3A = arith.constant 0 : index
    %swap3A_12 = arith.constant 0 : index
    %swap3A_13 = vector.load %arg4[%swap3A, %swap3A_12] : memref<1x32000xf32, #tpu.memory_space<vmem>>, vector<1x32000xf32>
    tpu.vector_store %arg4[%swap3A, %swap3A_12], %add3A_11 {strides = array<i32>} : memref<1x32000xf32, #tpu.memory_space<vmem>>, vector<1x32000xf32>,
    return
  }
  func.func @transform_0(%arg0: i32) -> (i32, i32) {
    %c0_i32 = arith.constant 0 : i32
    %c0_i32_0 = arith.constant 0 : i32
    return %c0_i32, %arg0 : i32, i32
  }
  func.func @transform_1(%arg0: i32) -> (i32, i32) {
    %c0_i32 = arith.constant 0 : i32
    %c0_i32_0 = arith.constant 0 : i32
    %c0_i32_1 = arith.constant 0 : i32
    return %c0_i32, %c0_i32_0 : i32, i32
  }
  func.func @transform_2(%arg0: i32) -> (i32, i32) {
    %c0_i32 = arith.constant 0 : i32
    %c0_i32_0 = arith.constant 0 : i32
    %c0_i32_1 = arith.constant 0 : i32
    return %c0_i32, %c0_i32_0 : i32, i32
  }
  func.func @transform_3(%arg0: i32) -> (i32, i32) {
    %c0_i32 = arith.constant 0 : i32
    %c0_i32_0 = arith.constant 0 : i32
    return %c0_i32, %arg0 : i32, i32
  }
}

</mosaic_0001>

<sc_bundles>
// kernel: kernel.4.cloned.1.call-start
scs
__scs_entry_jumppad:
0x0: {  	(pc) =	sbr.rel $0x88, $3  }
0x1: {  	(tag) =	ssettag $0x0;
	lr =	simm.s32 $0x1  }
0x2: {  	[smem:$0x3F9E] =	sst lr;
	_ =	strace $0xD0000000  }
0x3: {  	_ = 	snop  }
0x4: {  	_ = 	snop  }
0x5: {  	_ = 	snop  }
0x6: {  	_ = 	snop  }
0x7: {  	_ = 	snop  }
__scs_overlays_trampoline_lowered:
0x8: {  	[smem:$0x3FAD] =	sst s0  }
0x9: {  	[smem:$0x3FAE] =	sst s1  }
0xa: {  	[smem:$0x3FAF] =	sst s2  }
0xb: {  	[smem:$0x3FB0] =	sst s3  }
0xc: {  	[smem:$0x3FB1] =	sst s4  }
0xd: {  	[smem:$0x3FB2] =	sst s5  }
0xe: {  	[smem:$0x3FB3] =	sst s6  }
0xf: {  	[smem:$0x3FB4] =	sst s7  }
0x10: {  	[smem:$0x3FB5] =	sst s8  }
0x11: {  	[smem:$0x3FB6] =	sst s9;
	s0 =	simm.s32 @!p0 $0x0  }
0x12: {  	s1 =	sld [smem:$0x3F9C];
	s0 =	simm.s32 @p0 $0x1  }
0x13: {  	[smem:$0x3FB7] =	sst s0;
	s0 =	simm.s32 @!p1 $0x0  }
0x14: {  	s2 =	sld [smem:$0x3F9B];
	s0 =	simm.s32 @p1 $0x1  }
0x15: {  	[smem:$0x3FB8] =	sst s0;
	s0 =	simm.s32 @!p2 $0x0  }
0x16: {  	s3 =	sld [smem:$0x3FDB];
	s0 =	simm.s32 @p2 $0x1  }
0x17: {  	s4 =	simm.s32 $0x1BF5;
	[smem:$0x3FBA] =	sst s0  }
0x18: {  	s0 =	sld [smem:$0x3F9D];
	_ =	swait.ge [sflag:s4], $0x0  }
0x19: {  	s7 =	sld [smem:$0x3F9E]  }
0x1a: {  	s8 =	sadd.s32 $0xFFFFE003, lr  }
0x1b: {  	s9 =	sadd.s32 $0xFFFFFEF7, lr;
	s5 =	simm.s32 $0xFFFFFFFF;
	p2 =	slt.u32 s8, $0xFFFFF086  }
0x1c: {  	p1 =	slt.u32 s9, $0xF7A;
	s5 =	simm.s32 @!p2 $0x0  }
0x1d: {  	s5 =	simm.s32 @p1 $0x1;
	p0 =	seq.s32 s7, s2  }
0x1e: {  	s7 =	smul.u32 @!p0 $0xF7A, s2;
	p2 =	seq.s32 @!p0 s5, $0x0  }
0x1f: {  	s9 =	smul.u32 $0xF7A, s1;
	s8 =	simm.s32 @!p0 $0x1BF5;
	p2 =	por !p2, p0  }
0x20: {  	[sflag:s8] =	ssyncset.s32 @!p0 $0xFFFFF086;
	s6 =	sadd.s32 @!p0 s3, s7;
	s7 =	simm.s32 @!p0 $0x108  }
0x21: {  	s3 =	sadd.s32 s3, s9;
	s6 =	sadd.s32 @!p0 $0x88, s6;
	s7 =	simm.s32 @p2 $0x1082  }
0x22: {  	[simem:s7], [sflag:s8] =	dma.local @!p0 [hbm:s6], $0xF7A  }
0x23: {  	s9 =	sor.u32 $0xD0000000, s2;
	s6 =	simm.s32 $0x108;
	_ =	swait.ge @!p0 [sflag:s8], $0x0  }
0x24: {  	s3 =	sadd.s32 $0x88, s3;
	s6 =	simm.s32 @!p1 $0x1082;
	[sflag:s4] =	ssyncset.s32 $0xFFFFF086  }
0x25: {  	[simem:s6], [sflag:s4] =	dma.local [hbm:s3], $0xF7A  }
0x26: {  	[smem:$0x3F9E] =	sst s1;
	(tag) =	ssettag s2;
	_ =	strace s9  }
0x27: {  	s1 =	sld [smem:$0x3FAE]  }
0x28: {  	s2 =	sld [smem:$0x3FAF]  }
0x29: {  	s4 =	sld [smem:$0x3FB1]  }
0x2a: {  	p0 =	seq.s32 s5, $0x0;
	s5 =	sld [smem:$0x3FB2]  }
0x2b: {  	s6 =	sld [smem:$0x3FB3]  }
0x2c: {  	s7 =	sld [smem:$0x3FB4]  }
0x2d: {  	s3 =	simm.s32 $0x108;
	s8 =	sld [smem:$0x3FB5]  }
0x2e: {  	s3 =	simm.s32 @!p0 $0x1082;
	s9 =	sld [smem:$0x3FB6]  }
0x2f: {  	lr =	sadd.s32 s0, s3;
	s0 =	sld [smem:$0x3FAD]  }
0x30: {  	s3 =	sld [smem:$0x3FB0]  }
0x31: {  	[smem:$0x3FB9] =	sst s10  }
0x32: {  	s10 =	sld [smem:$0x3FB7];
	_ =	sdelay $0x3  }
0x33: {  	p0 =	seq.s32 s10, $0x1;
	s10 =	sld [smem:$0x3FB9];
	_ =	sdelay $0x3  }
0x34: {  	[smem:$0x3FB9] =	sst s10  }
0x35: {  	s10 =	sld [smem:$0x3FB8];
	_ =	sdelay $0x3  }
0x36: {  	p1 =	seq.s32 s10, $0x1;
	s10 =	sld [smem:$0x3FB9];
	_ =	sdelay $0x3  }
0x37: {  	[smem:$0x3FB9] =	sst s10  }
0x38: {  	s10 =	sld [smem:$0x3FBA]  }
0x39: {  	_ = 	snop;
	(pc) =	sbr.ind lr, $3  }
0x3a: {  	_ = 	snop  }
0x3b: {  	_ = 	snop  }
0x3c: {  	p2 =	seq.s32 s10, $0x1;
	s10 =	sld [smem:$0x3FB9]  }
0x3d: {  	_ =	shalt  }
0x3e: {  	_ =	shalt  }
0x3f: {  	_ =	shalt  }
0x40: {  	_ =	shalt  }
0x41: {  	_ =	shalt  }
0x42: {  	_ =	shalt  }
0x43: {  	_ =	shalt  }
0x44: {  	_ =	shalt  }
0x45: {  	_ =	shalt  }
0x46: {  	_ =	shalt  }
0x47: {  	_ =	shalt  }
0x48: {  	_ =	shalt  }
0x49: {  	_ =	shalt  }
0x4a: {  	_ =	shalt  }
0x4b: {  	_ =	shalt  }
0x4c: {  	_ =	shalt  }
0x4d: {  	_ =	shalt  }
0x4e: {  	_ =	shalt  }
0x4f: {  	_ =	shalt  }
0x50: {  	_ =	shalt  }
0x51: {  	_ =	shalt  }
0x52: {  	_ =	shalt  }
0x53: {  	_ =	shalt  }
0x54: {  	_ =	shalt  }
0x55: {  	_ =	shalt  }
0x56: {  	_ =	shalt  }
0x57: {  	_ =	shalt  }
0x58: {  	_ =	shalt  }
0x59: {  	_ =	shalt  }
0x5a: {  	_ =	shalt  }
0x5b: {  	_ =	shalt  }
0x5c: {  	_ =	shalt  }
0x5d: {  	_ =	shalt  }
0x5e: {  	_ =	shalt  }
0x5f: {  	_ =	shalt  }
0x60: {  	_ =	shalt  }
0x61: {  	_ =	shalt  }
0x62: {  	_ =	shalt  }
0x63: {  	_ =	shalt  }
0x64: {  	_ =	shalt  }
0x65: {  	_ =	shalt  }
0x66: {  	_ =	shalt  }
0x67: {  	_ =	shalt  }
0x68: {  	_ =	shalt  }
0x69: {  	_ =	shalt  }
0x6a: {  	_ =	shalt  }
0x6b: {  	_ =	shalt  }
0x6c: {  	_ =	shalt  }
0x6d: {  	_ =	shalt  }
0x6e: {  	_ =	shalt  }
0x6f: {  	_ =	shalt  }
0x70: {  	_ =	shalt  }
0x71: {  	_ =	shalt  }
0x72: {  	_ =	shalt  }
0x73: {  	_ =	shalt  }
0x74: {  	_ =	shalt  }
0x75: {  	_ =	shalt  }
0x76: {  	_ =	shalt  }
0x77: {  	_ =	shalt  }
0x78: {  	_ =	shalt  }
0x79: {  	_ =	shalt  }
0x7a: {  	_ =	shalt  }
0x7b: {  	_ =	shalt  }
0x7c: {  	_ =	shalt  }
0x7d: {  	_ =	shalt  }
0x7e: {  	_ =	shalt  }
0x7f: {  	_ =	shalt  }
0x80: {  	_ =	shalt  }
0x81: {  	_ =	shalt  }
0x82: {  	_ =	shalt  }
0x83: {  	_ =	shalt  }
0x84: {  	_ =	shalt  }
0x85: {  	_ =	shalt  }
0x86: {  	_ =	shalt  }
0x87: {  	_ =	shalt  }
.Lfunc_end0:
.L_simem_size_0:
called_computation_lowered:
.L_overlay_start_0:
0x88: {  	s2 =	sld [smem:$0x3FD9]  }
0x89: {  	s3 =	sld [smem:$0x3FFE];
	_ =	sdelay $0x1  }
0x8a: {  	s1 =	srdreg.scid  }
0x8b: {  	s0 =	sand.u32 $0x1, s1  }
0x8c: {  	s14 =	sshll.u32 s0, $0xA;
	s2 =	sadd.s32 s3, s2  }
0x8d: {  	s2 =	sadd.s32 s2, s14  }
0x8e: {  	[smem:$0x3FC5] =	sst s2  }
0x8f: {  	_ = 	snop  }
0x90: {  	s2 =	sld [smem:$0x3FD0];
	_ =	sdelay $0x2  }
0x91: {  	s15 =	simm.s32 $0xA;
	s4 =	simm.s32 $0x10  }
0x92: {  	[smem:s4], [sflag:s15] =	dma.local [hbm:s2], $0x1  }
0x93: {  	_ =	swait.eq [sflag:s15], $0x1  }
0x94: {  	[sflag:s15] =	ssyncset.done $0x0  }
0x95: {  	[sflag:s15] =	ssyncadd.s32 $0xFFFFFFFF  }
0x96: {  	s16 =	sld [smem:$0x10];
	(tm) =	ssettm $0x1  }
0x97: {  	s17 =	sld [smem:$0x3FFB];
	_ =	sdelay $0x3  }
0x98: {  	_ =	strace s17  }
0x99: {  	s3 =	sld [smem:$0x3FFC];
	_ =	sdelay $0x3  }
0x9a: {  	_ =	strace s3  }
0x9b: {  	s3 =	sld [smem:$0x3FFD];
	_ =	sdelay $0x3  }
0x9c: {  	_ =	strace s3  }
0x9d: {  	_ =	strace $0x8FFFFFFF  }
0x9e: {  	s18 =	sld [smem:$0x3FDB];
	_ =	sdelay $0x1  }
0x9f: {  	s19 =	simm.s32 $_scs_section_size  }
0xa0: {  	s5 =	simm.s32 $_size__tile_overlayer_lowered;
	s6 =	simm.s32 $_tile_overlayer_lowered  }
0xa1: {  	s22 =	simm.s32 $0x1BFF;
	s21 =	sshll.u32 s6, $0x1;
	s3 =	sadd.s32 s19, s18  }
0xa2: {  	s7 =	simm.s32 $0x0;
	s20 =	sshll.u32 s5, $0x1;
	s5 =	sadd.s32 s21, s3  }
0xa3: {  	[timem:s7], [sflag:s22] =	dma.local [hbm:s5], s20  }
0xa4: {  	_ =	swait.ge [sflag:s22], s20  }
0xa5: {  	s4 =	ssub.s32 $0x0, s20;
	[sflag:s22] =	ssyncset.done $0x0  }
0xa6: {  	[sflag:s22] =	ssyncadd.s32 s4;
	_ =	sdelay $0x1  }
0xa7: {  	s23 =	simm.s32 $0x1B8B  }
0xa8: {  	_ =	swait.ge [sflag:s23], $0x1  }
0xa9: {  	[sflag:s23] =	ssyncset.done $0x0  }
0xaa: {  	s25 =	simm.s32 $0x1B8E;
	s24 =	sld [smem:$0x3FFE];
	[sflag:s23] =	ssyncadd.s32 $0xFFFFFFFF  }
0xab: {  	s26 =	simm.s32 $execute0_lowered;
	[smem:$0x3FD2] =	sst s25  }
0xac: {  	s5 =	sshll.u32 s26, $0x1;
	_ =	strace $0x80000046;
	[dreg:$0x1] =	wrdreg $0xFFFFFFFF  }
0xad: {  	s28 =	simm.s32 $_size_execute0_lowered;
	s3 =	sadd.s32 s3, s5;
	[dreg:$0x0] =	wrdreg $0x0  }
0xae: {  	s5 =	sshll.u32 s28, $0x1;
	[dreg:$0x2] =	wrdreg s3  }
0xaf: {  	[dreg:$0x3] =	wrdreg s5  }
0xb0: {  	[dreg:$0x4] =	wrdreg $0xC0  }
0xb1: {  	_ =	task [dreg:s7], $0x5FFFF  }
0xb2: {  	[dreg:$0x1] =	wrdreg $0xFFFFFFFF  }
0xb3: {  	[dreg:$0x0] =	wrdreg $0x60  }
0xb4: {  	[dreg:$0x2] =	wrdreg s24  }
0xb5: {  	[dreg:$0x3] =	wrdreg s16  }
0xb6: {  	[dreg:$0x4] =	wrdreg $0x9  }
0xb7: {  	_ =	task.clear_ibuf [dreg:s7], $0x5FFFF;
	_ =	strace $0x90000046  }
0xb8: {  	s29 =	simm.s32 $0x9;
	_ =	strace $0x80000048  }
0xb9: {  	_ =	swait.ge [sflag:s29], $0x1  }
0xba: {  	[sflag:s29] =	ssyncadd.s32 $0xFFFFFFFF  }
0xbb: {  	_ =	strace $0x90000048  }
0xbc: {  	_ =	sfence  }
0xbd: {  	s30 =	sld [smem:$0x0];
	_ =	sdelay $0x2  }
0xbe: {  	s31 =	sshll.u32 s1, $0xD;
	s1 =	sshrl.u32 s1, $0x2  }
0xbf: {  	s3 =	sand.u32 $0x4000, s31;
	s1 =	sadd.s32 s1, s30  }
0xc0: {  	s0 =	sor.u32 s3, s0;
	s1 =	sshll.u32 s1, $0x11  }
0xc1: {  	s0 =	sor.u32 s1, s0  }
0xc2: {  	s0 =	sadd.s32 $0x8F2B, s0  }
0xc3: {  	[sflag:s0] =	ssyncadd.remote.s32 $0x1  }
0xc4: {  	_ =	sfence.sel $0xFFFF  }
0xc5: {  	[dreg:$0x0] =	wrdreg $0xFFFFFFFF;
	(pc) =	sbr.abs _section_cstart, $3  }
0xc6: {  	[dreg:$0x1] =	wrdreg $0xFFFFFFFF  }
0xc7: {  	_ =	task.clear_ibuf [dreg:s7], $0x2FFFF;
	_ =	strace $0x9FFFFFFF  }
0xc8: {  	(tm) =	ssettm $0x7FFFFFFF  }
0xc9: {  	_ =	shalt  }
tec
execute0_lowered:
.L_overlay_start_1:
0x0: {  	(tag) =	ssettag $0x1  }
0x1: {  	s5 =	rddreg [dreg:$0x0]  }
0x2: {  	s6 =	rddreg [dreg:$0x1];
	s2 =	srdreg.scid  }
0x3: {  	s1 =	stileid.u32;
	s0 =	rddreg [dreg:$0x2]  }
0x4: {  	s10 =	simm.s32 $0x0;
	s3 =	sand.u32 $0x1, s2;
	s4 =	sshll.u32 s1, $0x1  }
0x5: {  	s2 =	simm.s32 $0x0;
	s7 =	ssub.s32 $0x2, s3;
	s8 =	sor.u32 s3, s4  }
.Ltmp0:
0x6: {  	[smem:$0x7FF] =	sst s2;
	s31 =	sshrl.u32 s7, $0x1;
	(pc) =	sbr.rel .LBB2_1-.Ltmp0, $4  }
0x7: {  	s4 =	smul.u32 $0xC80, s8;
	_ =	strace $0x80000047;
	s9 =	sshll.u32 s8, $0x3  }
0x8: {  	p0 =	seq.s32 s8, $0x1F;
	s8 =	simm.s32 $0x1;
	s7 =	ssub.s32 s7, s31  }
0x9: {  	s3 =	sadd.s32 s5, s4;
	s4 =	sadd.s32 s6, s9;
	s5 =	sadd.s32 $0x18380, s5  }
0xa: {  	v0 =	vlaneseq.u32;
	s6 =	sadd.s32 $0xF8, s6;
	s7 =	smax.u32 s7, $0x1;
	s9 =	simm.s32 $0x6400  }
.LBB2_10:
0xb: {  	s10 =	sadd.s32 $0x1, s10  }
0xc: {  	p1 =	sne.s32 s10, s7  }
.Ltmp1:
0xd: {  	_ = 	snop;
	(pc) =	sbr.rel @!p1 .LBB2_11-.Ltmp1, $1  }
0xe: {  	_ =	sdelay $0x3  }
.LBB2_1:
.Ltmp2:
0xf: {  	(pc) =	sbr.rel @!p0 .LBB2_2-.Ltmp2, $2  }
0x10: {  	_ =	sdelay $0x2  }
0x11: {  	s11 =	simm.s32 $0x0  }
0x12: {  	[tilespmem:s11], [sflag:$0x1] =	stream.linear.gather [hbm4b:s5+s11], $0x1900, $0x38;
	[tilespmem:$0x6480] =	vst v63  }
0x13: {  	_ =	swait.ge [sflag:s8], $0x1900  }
0x14: {  	[sflag:s8] =	ssyncset.done $0x0  }
0x15: {  	s14 =	simm.s32 $0xC0;
	[sflag:s8] =	ssyncadd.s32 $0xFFFFE700  }
0x16: {  	v1 =	vld [tilespmem:s14+$0xFFFFFF40]  }
0x17: {  	v2 =	vld [tilespmem:s14+$0xFFFFFF50];
	_ =	sdelay $0x1  }
0x18: {  	v3 =	vld [tilespmem:s14+$0xFFFFFF60];
	_ =	sdelay $0x1  }
0x19: {  	v4 =	vld [tilespmem:s14+$0xFFFFFF70]  }
0x1a: {  	v1 =	vadd.f32 v2, v1  }
0x1b: {  	v2 =	vld [tilespmem:s14+$0xFFFFFF80]  }
0x1c: {  	v1 =	vadd.f32 v3, v1  }
0x1d: {  	v3 =	vld [tilespmem:s14+$0xFFFFFF90]  }
0x1e: {  	v1 =	vadd.f32 v4, v1  }
0x1f: {  	v4 =	vld [tilespmem:s14+$0xFFFFFFA0]  }
0x20: {  	v1 =	vadd.f32 v2, v1  }
0x21: {  	v2 =	vld [tilespmem:s14+$0xFFFFFFB0]  }
0x22: {  	s15 =	sand.u32 $0x1FF0, s11;
	v1 =	vadd.f32 v3, v1  }
0x23: {  	v3 =	vld [tilespmem:s15+$0x80]  }
0x24: {  	v1 =	vadd.f32 v4, v1  }
0x25: {  	v4 =	vld [tilespmem:s14+$0xFFFFFFD0]  }
0x26: {  	v1 =	vadd.f32 v2, v1  }
0x27: {  	v2 =	vld [tilespmem:s14+$0xFFFFFFE0]  }
0x28: {  	v1 =	vadd.f32 v3, v1  }
0x29: {  	v3 =	vld [tilespmem:s14+$0xFFFFFFF0]  }
0x2a: {  	v1 =	vadd.f32 v4, v1  }
0x2b: {  	v4 =	vld [tilespmem:s14+$0x0]  }
0x2c: {  	s12 =	simm.s32 $0x250;
	v5 =	vld [tilespmem:s14+$0x10];
	v1 =	vadd.f32 v2, v1  }
0x2d: {  	v6 =	vld [tilespmem:s12+$0xFFFFFF50]  }
0x2e: {  	v2 =	vld [tilespmem:s12+$0xFFFFFF40];
	v1 =	vadd.f32 v3, v1  }
0x2f: {  	v3 =	vld [tilespmem:s14+$0x20]  }
0x30: {  	v7 =	vld [tilespmem:s12+$0xFFFFFF60];
	v1 =	vadd.f32 v4, v1  }
0x31: {  	v4 =	vld [tilespmem:s14+$0x30]  }
0x32: {  	v8 =	vld [tilespmem:s12+$0xFFFFFF70];
	v1 =	vadd.f32 v5, v1  }
0x33: {  	v2 =	vadd.f32 v6, v2;
	v5 =	vld [tilespmem:s15+$0x100]  }
0x34: {  	v6 =	vld [tilespmem:s12+$0xFFFFFF80];
	v1 =	vadd.f32 v3, v1  }
0x35: {  	v2 =	vadd.f32 v7, v2;
	v3 =	vld [tilespmem:s14+$0x50]  }
0x36: {  	v7 =	vld [tilespmem:s12+$0xFFFFFF90];
	v1 =	vadd.f32 v4, v1  }
0x37: {  	v2 =	vadd.f32 v8, v2;
	v4 =	vld [tilespmem:s14+$0x60]  }
0x38: {  	v8 =	vld [tilespmem:s12+$0xFFFFFFA0];
	v1 =	vadd.f32 v5, v1  }
0x39: {  	v2 =	vadd.f32 v6, v2;
	v5 =	vld [tilespmem:s14+$0x70]  }
0x3a: {  	s17 =	simm.s32 $0x190;
	v6 =	vld [tilespmem:s12+$0xFFFFFFB0];
	v1 =	vadd.f32 v3, v1  }
0x3b: {  	s13 =	sand.u32 $0x1FF0, s17;
	v2 =	vadd.f32 v7, v2;
	v3 =	vld [tilespmem:s14+$0x80]  }
0x3c: {  	v7 =	vld [tilespmem:s13+$0x80];
	v1 =	vadd.f32 v4, v1  }
0x3d: {  	v2 =	vadd.f32 v8, v2;
	v4 =	vld [tilespmem:s14+$0x90]  }
0x3e: {  	v8 =	vld [tilespmem:s12+$0xFFFFFFD0];
	v1 =	vadd.f32 v5, v1  }
0x3f: {  	v2 =	vadd.f32 v6, v2;
	v6 =	vld [tilespmem:s14+$0xA0]  }
0x40: {  	v9 =	vld [tilespmem:s12+$0xFFFFFFE0];
	v1 =	vadd.f32 v3, v1  }
0x41: {  	v2 =	vadd.f32 v7, v2;
	v3 =	vld [tilespmem:s14+$0xB0]  }
0x42: {  	v10 =	vld [tilespmem:s12+$0xFFFFFFF0];
	v1 =	vadd.f32 v4, v1  }
0x43: {  	v4 =	vadd.f32 v8, v2;
	v2 =	vld [tilespmem:s15+$0x180]  }
0x44: {  	s16 =	simm.s32 $0x3E0;
	v5 =	vld [tilespmem:s12+$0x0];
	v6 =	vadd.f32 v6, v1  }
0x45: {  	v7 =	vld [tilespmem:s16+$0xFFFFFF40];
	v9 =	vadd.f32 v9, v4  }
0x46: {  	v4 =	vld [tilespmem:s12+$0x10];
	v3 =	vadd.f32 v3, v6  }
0x47: {  	s18 =	simm.s32 $0x3;
	s14 =	simm.s32 $0x2;
	s15 =	simm.s32 $0x1;
	v8 =	vld [tilespmem:s16+$0xFFFFFF50];
	v1 =	vimm.f32 $0.0e+00;
	v6 =	vadd.f32 v10, v9  }
.LBB2_8:
0x48: {  	p1 =	sne.s32 s18, $0xF;
	v9 =	vld [tilespmem:s12+$0x20];
	v2 =	vadd.f32 v2, v3  }
0x49: {  	v3 =	vld [tilespmem:s16+$0xFFFFFF60];
	v5 =	vadd.f32 v5, v6  }
0x4a: {  	v6 =	vld [tilespmem:s12+$0x30];
	(xrf2) =	vadd.scan.msk.f32 $0xffff, v2  }
0x4b: {  	v2 =	vld [tilespmem:s16+$0xFFFFFF70];
	v4 =	vadd.f32 v4, v5  }
0x4c: {  	v5 =	vadd.f32 v8, v7;
	v7 =	vld [tilespmem:s13+$0x100]  }
0x4d: {  	v8 =	vld [tilespmem:s16+$0xFFFFFF80];
	v4 =	vadd.f32 v9, v4  }
0x4e: {  	v3 =	vadd.f32 v3, v5;
	v5 =	vld [tilespmem:s12+$0x50]  }
0x4f: {  	v9 =	vld [tilespmem:s16+$0xFFFFFF90];
	v4 =	vadd.f32 v6, v4  }
0x50: {  	v2 =	vadd.f32 v2, v3;
	v3 =	vld [tilespmem:s12+$0x60]  }
0x51: {  	v6 =	vld [tilespmem:s16+$0xFFFFFFA0];
	v4 =	vadd.f32 v7, v4  }
0x52: {  	v2 =	vadd.f32 v8, v2;
	v7 =	vld [tilespmem:s12+$0x70]  }
0x53: {  	s17 =	sadd.s32 $0x190, s17;
	v8 =	vld [tilespmem:s16+$0xFFFFFFB0];
	v4 =	vadd.f32 v5, v4  }
0x54: {  	s19 =	sand.u32 $0x1FF0, s17;
	v2 =	vadd.f32 v9, v2;
	v5 =	vld [tilespmem:s12+$0x80];
	v9, _, _ =	vpop (xrf2)  }
0x55: {  	v10 =	vld [tilespmem:s19+$0x80];
	v3 =	vadd.f32 v3, v4;
	v4 =	vmov s11;
	v9 =	vbroadcast v9, $0xF;
	s11 =	smov.u32 s15;
	s15 =	smov.u32 s14;
	s14 =	smov.u32 s18  }
0x56: {  	v2 =	vadd.f32 v6, v2;
	v6 =	vld [tilespmem:s12+$0x90];
	vm0 =	veq.s32 v4, v0  }
0x57: {  	v4 =	vld [tilespmem:s16+$0xFFFFFFD0];
	v3 =	vadd.f32 v7, v3;
	v1 =	vsel vm0, v9, v1  }
0x58: {  	v2 =	vadd.f32 v8, v2;
	v7 =	vld [tilespmem:s12+$0xA0]  }
0x59: {  	v8 =	vld [tilespmem:s16+$0xFFFFFFE0];
	v3 =	vadd.f32 v5, v3  }
0x5a: {  	v2 =	vadd.f32 v10, v2;
	v9 =	vld [tilespmem:s12+$0xB0];
	s12 =	smov.u32 s16  }
0x5b: {  	v10 =	vld [tilespmem:s16+$0xFFFFFFF0];
	v3 =	vadd.f32 v6, v3  }
.Ltmp3:
0x5c: {  	v4 =	vadd.f32 v4, v2;
	v2 =	vld [tilespmem:s13+$0x180];
	s13 =	smov.u32 s19;
	(pc) =	sbr.rel @p1 .LBB2_8-.Ltmp3, $4  }
0x5d: {  	v5 =	vld [tilespmem:s16+$0x0];
	v3 =	vadd.f32 v7, v3  }
0x5e: {  	s16 =	sadd.s32 $0x190, s16;
	v6 =	vadd.f32 v8, v4;
	v4 =	vld [tilespmem:s12+$0x10]  }
0x5f: {  	v7 =	vld [tilespmem:s16+$0xFFFFFF40];
	v3 =	vadd.f32 v9, v3  }
0x60: {  	s18 =	sadd.s32 $0x1, s18;
	v8 =	vld [tilespmem:s16+$0xFFFFFF50];
	v6 =	vadd.f32 v10, v6  }
0x61: {  	_ = 	snop  }
0x62: {  	v9 =	vld [tilespmem:s16+$0xFFFFFF60];
	_ =	sdelay $0x1  }
0x63: {  	v10 =	vld [tilespmem:s16+$0xFFFFFF70]  }
0x64: {  	v7 =	vadd.f32 v8, v7  }
0x65: {  	v29 =	vld [tilespmem:s16+$0xFFFFFF80]  }
0x66: {  	v7 =	vadd.f32 v9, v7  }
0x67: {  	v30 =	vld [tilespmem:s16+$0xFFFFFF90]  }
0x68: {  	v7 =	vadd.f32 v10, v7  }
0x69: {  	v31 =	vld [tilespmem:s16+$0xFFFFFFA0]  }
0x6a: {  	v7 =	vadd.f32 v29, v7  }
0x6b: {  	v32 =	vld [tilespmem:s16+$0xFFFFFFB0];
	s17 =	sadd.s32 $0x190, s17  }
0x6c: {  	s17 =	sand.u32 $0x1FF0, s17;
	v7 =	vadd.f32 v30, v7  }
0x6d: {  	v33 =	vld [tilespmem:s17+$0x80]  }
0x6e: {  	v7 =	vadd.f32 v31, v7  }
0x6f: {  	v34 =	vld [tilespmem:s16+$0xFFFFFFD0]  }
0x70: {  	v7 =	vadd.f32 v32, v7  }
0x71: {  	v35 =	vld [tilespmem:s16+$0xFFFFFFE0]  }
0x72: {  	v7 =	vadd.f32 v33, v7  }
0x73: {  	v36 =	vld [tilespmem:s16+$0xFFFFFFF0]  }
0x74: {  	v7 =	vadd.f32 v34, v7  }
0x75: {  	v37 =	vld [tilespmem:s16+$0x0]  }
0x76: {  	v7 =	vadd.f32 v35, v7  }
0x77: {  	v38 =	vld [tilespmem:s16+$0x10]  }
0x78: {  	v39 =	vld [tilespmem:s12+$0x20];
	v7 =	vadd.f32 v36, v7  }
0x79: {  	v40 =	vld [tilespmem:s16+$0x20];
	v5 =	vadd.f32 v5, v6  }
0x7a: {  	v41 =	vld [tilespmem:s12+$0x30];
	v7 =	vadd.f32 v37, v7  }
0x7b: {  	v42 =	vld [tilespmem:s16+$0x30];
	v4 =	vadd.f32 v4, v5  }
0x7c: {  	v43 =	vld [tilespmem:s13+$0x100];
	v7 =	vadd.f32 v38, v7  }
0x7d: {  	v44 =	vld [tilespmem:s17+$0x100];
	v4 =	vadd.f32 v39, v4  }
0x7e: {  	v45 =	vld [tilespmem:s12+$0x50];
	v6 =	vadd.f32 v40, v7  }
0x7f: {  	v46 =	vld [tilespmem:s16+$0x50];
	v4 =	vadd.f32 v41, v4  }
0x80: {  	v47 =	vld [tilespmem:s12+$0x60];
	v5 =	vadd.f32 v42, v6  }
0x81: {  	v48 =	vld [tilespmem:s16+$0x60];
	v4 =	vadd.f32 v43, v4  }
0x82: {  	v49 =	vld [tilespmem:s12+$0x70];
	v5 =	vadd.f32 v44, v5  }
0x83: {  	v50 =	vld [tilespmem:s16+$0x70];
	v4 =	vadd.f32 v45, v4  }
0x84: {  	v51 =	vld [tilespmem:s12+$0x80];
	v5 =	vadd.f32 v46, v5  }
0x85: {  	v52 =	vld [tilespmem:s16+$0x80];
	v4 =	vadd.f32 v47, v4  }
0x86: {  	v53 =	vld [tilespmem:s12+$0x90];
	v5 =	vadd.f32 v48, v5  }
0x87: {  	v54 =	vld [tilespmem:s16+$0x90];
	v4 =	vadd.f32 v49, v4  }
0x88: {  	v55 =	vld [tilespmem:s12+$0xA0];
	v5 =	vadd.f32 v50, v5  }
0x89: {  	v56 =	vld [tilespmem:s16+$0xA0];
	v4 =	vadd.f32 v51, v4  }
0x8a: {  	v57 =	vld [tilespmem:s12+$0xB0];
	v5 =	vadd.f32 v52, v5  }
0x8b: {  	v58 =	vld [tilespmem:s16+$0xB0];
	v4 =	vadd.f32 v53, v4  }
0x8c: {  	v59 =	vld [tilespmem:s13+$0x180];
	v5 =	vadd.f32 v54, v5  }
0x8d: {  	v60 =	vld [tilespmem:s17+$0x180];
	v4 =	vadd.f32 v55, v4  }
0x8e: {  	v5 =	vadd.f32 v56, v5  }
0x8f: {  	v2 =	vadd.f32 v2, v3;
	v3 =	vadd.f32 v57, v4  }
0x90: {  	v61 =	vadd.f32 v58, v5  }
0x91: {  	(xrf2) =	vadd.scan.msk.f32 $0xffff, v2;
	v2 =	vadd.f32 v59, v3  }
0x92: {  	v3 =	vadd.f32 v60, v61  }
0x93: {  	(xrf2) =	vadd.scan.msk.f32 $0xffff, v2  }
0x94: {  	(xrf2) =	vadd.scan.msk.f32 $0xffff, v3;
	_ =	sdelay $0x6  }
0x95: {  	v2, _, _ =	vpop (xrf2)  }
0x96: {  	v2 =	vbroadcast v2, $0xF;
	v3 =	vmov s11  }
0x97: {  	v62, _, _ =	vpop (xrf2);
	vm0 =	veq.s32 v3, v0  }
0x98: {  	v3 =	vbroadcast v62, $0xF;
	v1 =	vsel vm0, v2, v1;
	v2 =	vmov s15;
	v63, _, _ =	vpop (xrf2)  }
0x99: {  	vm14 =	veq.s32 v2, v0;
	v2 =	vmov s14;
	v4 =	vbroadcast v63, $0xF  }
0x9a: {  	v1 =	vsel vm14, v3, v1;
	vm15 =	veq.s32 v2, v0  }
0x9b: {  	v1 =	vsel vm15, v4, v1  }
0x9c: {  	v1 =	vmul.f32 $2.499999940e-03, v1;
	_ =	sdelay $0x1  }
.Ltmp4:
0x9d: {  	[tilespmem:$0x6400] =	vst v1;
	(pc) =	sbr.rel .LBB2_10-.Ltmp4, $4  }
0x9e: {  	[hbm4b:s6+s2] =	stream.linear.scatter [tilespmem:s9], [sflag:$0x1], $0x10, $0x38;
	[tilespmem:$0x6480] =	vst v63  }
0x9f: {  	_ =	swait.ge [sflag:s8], $0x10  }
0xa0: {  	[sflag:s8] =	ssyncset.done $0x0  }
0xa1: {  	[sflag:s8] =	ssyncadd.s32 $0xFFFFFFF0  }
.LBB2_2:
0xa2: {  	[tilespmem:s11], [sflag:$0x1] =	stream.linear.gather [hbm4b:s3+s11], $0x6400, $0x38;
	[tilespmem:$0x6480] =	vst v63  }
0xa3: {  	_ =	swait.ge [sflag:s8], $0x6400  }
0xa4: {  	[sflag:s8] =	ssyncset.done $0x0  }
0xa5: {  	s12 =	simm.s32 $0xC0;
	s13 =	simm.s32 $0x0;
	[sflag:s8] =	ssyncadd.s32 $0xFFFF9C00  }
.LBB2_3:
0xa6: {  	v1 =	vld [tilespmem:s12+$0xFFFFFF40]  }
0xa7: {  	v2 =	vld [tilespmem:s12+$0xFFFFFF50];
	_ =	sdelay $0x1  }
0xa8: {  	v3 =	vld [tilespmem:s12+$0xFFFFFF60];
	_ =	sdelay $0x1  }
0xa9: {  	v4 =	vld [tilespmem:s12+$0xFFFFFF70]  }
0xaa: {  	v1 =	vadd.f32 v2, v1  }
0xab: {  	v2 =	vld [tilespmem:s12+$0xFFFFFF80]  }
0xac: {  	v1 =	vadd.f32 v3, v1  }
0xad: {  	v3 =	vld [tilespmem:s12+$0xFFFFFF90]  }
0xae: {  	v1 =	vadd.f32 v4, v1  }
0xaf: {  	v4 =	vld [tilespmem:s12+$0xFFFFFFA0]  }
0xb0: {  	v1 =	vadd.f32 v2, v1  }
0xb1: {  	v2 =	vld [tilespmem:s12+$0xFFFFFFB0]  }
0xb2: {  	s16 =	sand.u32 $0x7FF0, s11;
	v1 =	vadd.f32 v3, v1  }
0xb3: {  	v3 =	vld [tilespmem:s16+$0x80]  }
0xb4: {  	v1 =	vadd.f32 v4, v1  }
0xb5: {  	v4 =	vld [tilespmem:s12+$0xFFFFFFD0]  }
0xb6: {  	v1 =	vadd.f32 v2, v1  }
0xb7: {  	v2 =	vld [tilespmem:s12+$0xFFFFFFE0]  }
0xb8: {  	v1 =	vadd.f32 v3, v1  }
0xb9: {  	v3 =	vld [tilespmem:s12+$0xFFFFFFF0]  }
0xba: {  	v1 =	vadd.f32 v4, v1  }
0xbb: {  	v4 =	vld [tilespmem:s12+$0x0]  }
0xbc: {  	v5 =	vld [tilespmem:s12+$0x10];
	s14 =	sadd.s32 $0x190, s12;
	v1 =	vadd.f32 v2, v1  }
0xbd: {  	v6 =	vld [tilespmem:s14+$0xFFFFFF50]  }
0xbe: {  	v2 =	vld [tilespmem:s14+$0xFFFFFF40];
	v1 =	vadd.f32 v3, v1  }
0xbf: {  	v3 =	vld [tilespmem:s12+$0x20]  }
0xc0: {  	v7 =	vld [tilespmem:s14+$0xFFFFFF60];
	v1 =	vadd.f32 v4, v1  }
0xc1: {  	v4 =	vld [tilespmem:s12+$0x30]  }
0xc2: {  	v8 =	vld [tilespmem:s14+$0xFFFFFF70];
	v1 =	vadd.f32 v5, v1  }
0xc3: {  	v2 =	vadd.f32 v6, v2;
	v5 =	vld [tilespmem:s16+$0x100]  }
0xc4: {  	v6 =	vld [tilespmem:s14+$0xFFFFFF80];
	v1 =	vadd.f32 v3, v1  }
0xc5: {  	v2 =	vadd.f32 v7, v2;
	v3 =	vld [tilespmem:s12+$0x50]  }
0xc6: {  	v7 =	vld [tilespmem:s14+$0xFFFFFF90];
	v1 =	vadd.f32 v4, v1  }
0xc7: {  	v2 =	vadd.f32 v8, v2;
	v4 =	vld [tilespmem:s12+$0x60]  }
0xc8: {  	v8 =	vld [tilespmem:s14+$0xFFFFFFA0];
	v1 =	vadd.f32 v5, v1  }
0xc9: {  	v2 =	vadd.f32 v6, v2;
	v5 =	vld [tilespmem:s12+$0x70]  }
0xca: {  	s20 =	sadd.s32 $0x190, s11;
	v6 =	vld [tilespmem:s14+$0xFFFFFFB0];
	v1 =	vadd.f32 v3, v1  }
0xcb: {  	s15 =	sand.u32 $0x7FF0, s20;
	v2 =	vadd.f32 v7, v2;
	v3 =	vld [tilespmem:s12+$0x80]  }
0xcc: {  	v7 =	vld [tilespmem:s15+$0x80];
	v1 =	vadd.f32 v4, v1  }
0xcd: {  	v2 =	vadd.f32 v8, v2;
	v4 =	vld [tilespmem:s12+$0x90]  }
0xce: {  	v8 =	vld [tilespmem:s14+$0xFFFFFFD0];
	v1 =	vadd.f32 v5, v1  }
0xcf: {  	v2 =	vadd.f32 v6, v2;
	v6 =	vld [tilespmem:s12+$0xA0]  }
0xd0: {  	v9 =	vld [tilespmem:s14+$0xFFFFFFE0];
	v1 =	vadd.f32 v3, v1  }
0xd1: {  	v2 =	vadd.f32 v7, v2;
	v3 =	vld [tilespmem:s12+$0xB0]  }
0xd2: {  	v10 =	vld [tilespmem:s14+$0xFFFFFFF0];
	v1 =	vadd.f32 v4, v1  }
0xd3: {  	v4 =	vadd.f32 v8, v2;
	v2 =	vld [tilespmem:s16+$0x180]  }
0xd4: {  	s19 =	sadd.s32 $0x190, s14;
	v5 =	vld [tilespmem:s14+$0x0];
	v6 =	vadd.f32 v6, v1  }
0xd5: {  	v7 =	vld [tilespmem:s19+$0xFFFFFF40];
	v9 =	vadd.f32 v9, v4  }
0xd6: {  	s17 =	simm.s32 $0x1;
	v4 =	vld [tilespmem:s14+$0x10];
	v3 =	vadd.f32 v3, v6  }
0xd7: {  	s21 =	simm.s32 $0x3;
	s18 =	simm.s32 $0x0;
	s16 =	simm.s32 $0x2;
	v8 =	vld [tilespmem:s19+$0xFFFFFF50];
	v1 =	vimm.f32 $0.0e+00;
	v6 =	vadd.f32 v10, v9  }
.LBB2_4:
0xd8: {  	p1 =	sne.s32 s21, $0xF;
	v9 =	vld [tilespmem:s14+$0x20];
	v2 =	vadd.f32 v2, v3  }
0xd9: {  	v3 =	vld [tilespmem:s19+$0xFFFFFF60];
	v5 =	vadd.f32 v5, v6  }
0xda: {  	v6 =	vld [tilespmem:s14+$0x30];
	(xrf2) =	vadd.scan.msk.f32 $0xffff, v2  }
0xdb: {  	v2 =	vld [tilespmem:s19+$0xFFFFFF70];
	v4 =	vadd.f32 v4, v5  }
0xdc: {  	v5 =	vadd.f32 v8, v7;
	v7 =	vld [tilespmem:s15+$0x100]  }
0xdd: {  	v8 =	vld [tilespmem:s19+$0xFFFFFF80];
	v4 =	vadd.f32 v9, v4  }
0xde: {  	v3 =	vadd.f32 v3, v5;
	v5 =	vld [tilespmem:s14+$0x50]  }
0xdf: {  	v9 =	vld [tilespmem:s19+$0xFFFFFF90];
	v4 =	vadd.f32 v6, v4  }
0xe0: {  	v2 =	vadd.f32 v2, v3;
	v3 =	vld [tilespmem:s14+$0x60]  }
0xe1: {  	v6 =	vld [tilespmem:s19+$0xFFFFFFA0];
	v4 =	vadd.f32 v7, v4  }
0xe2: {  	v2 =	vadd.f32 v8, v2;
	v7 =	vld [tilespmem:s14+$0x70]  }
0xe3: {  	s20 =	sadd.s32 $0x190, s20;
	v8 =	vld [tilespmem:s19+$0xFFFFFFB0];
	v4 =	vadd.f32 v5, v4  }
0xe4: {  	s22 =	sand.u32 $0x7FF0, s20;
	v2 =	vadd.f32 v9, v2;
	v5 =	vld [tilespmem:s14+$0x80];
	v9, _, _ =	vpop (xrf2)  }
0xe5: {  	v10 =	vld [tilespmem:s22+$0x80];
	v3 =	vadd.f32 v3, v4;
	v4 =	vmov s18;
	v9 =	vbroadcast v9, $0xF;
	s18 =	smov.u32 s17;
	s17 =	smov.u32 s16;
	s16 =	smov.u32 s21  }
0xe6: {  	v2 =	vadd.f32 v6, v2;
	v6 =	vld [tilespmem:s14+$0x90];
	vm0 =	veq.s32 v4, v0  }
0xe7: {  	v4 =	vld [tilespmem:s19+$0xFFFFFFD0];
	v3 =	vadd.f32 v7, v3;
	v1 =	vsel vm0, v9, v1  }
0xe8: {  	v2 =	vadd.f32 v8, v2;
	v7 =	vld [tilespmem:s14+$0xA0]  }
0xe9: {  	v8 =	vld [tilespmem:s19+$0xFFFFFFE0];
	v3 =	vadd.f32 v5, v3  }
0xea: {  	v2 =	vadd.f32 v10, v2;
	v9 =	vld [tilespmem:s14+$0xB0];
	s14 =	smov.u32 s19  }
0xeb: {  	v10 =	vld [tilespmem:s19+$0xFFFFFFF0];
	v3 =	vadd.f32 v6, v3  }
.Ltmp5:
0xec: {  	v4 =	vadd.f32 v4, v2;
	v2 =	vld [tilespmem:s15+$0x180];
	s15 =	smov.u32 s22;
	(pc) =	sbr.rel @p1 .LBB2_4-.Ltmp5, $4  }
0xed: {  	v5 =	vld [tilespmem:s19+$0x0];
	v3 =	vadd.f32 v7, v3  }
0xee: {  	s19 =	sadd.s32 $0x190, s19;
	v6 =	vadd.f32 v8, v4;
	v4 =	vld [tilespmem:s14+$0x10]  }
0xef: {  	v7 =	vld [tilespmem:s19+$0xFFFFFF40];
	v3 =	vadd.f32 v9, v3  }
0xf0: {  	s21 =	sadd.s32 $0x1, s21;
	v8 =	vld [tilespmem:s19+$0xFFFFFF50];
	v6 =	vadd.f32 v10, v6  }
0xf1: {  	_ = 	snop  }
0xf2: {  	v9 =	vld [tilespmem:s19+$0xFFFFFF60];
	_ =	sdelay $0x1  }
0xf3: {  	v10 =	vld [tilespmem:s19+$0xFFFFFF70]  }
0xf4: {  	v7 =	vadd.f32 v8, v7  }
0xf5: {  	v29 =	vld [tilespmem:s19+$0xFFFFFF80]  }
0xf6: {  	v7 =	vadd.f32 v9, v7  }
0xf7: {  	v30 =	vld [tilespmem:s19+$0xFFFFFF90]  }
0xf8: {  	v7 =	vadd.f32 v10, v7  }
0xf9: {  	v31 =	vld [tilespmem:s19+$0xFFFFFFA0]  }
0xfa: {  	v7 =	vadd.f32 v29, v7  }
0xfb: {  	v32 =	vld [tilespmem:s19+$0xFFFFFFB0];
	s20 =	sadd.s32 $0x190, s20  }
0xfc: {  	s20 =	sand.u32 $0x7FF0, s20;
	v7 =	vadd.f32 v30, v7  }
0xfd: {  	v33 =	vld [tilespmem:s20+$0x80]  }
0xfe: {  	v7 =	vadd.f32 v31, v7  }
0xff: {  	v34 =	vld [tilespmem:s19+$0xFFFFFFD0]  }
0x100: {  	v7 =	vadd.f32 v32, v7  }
0x101: {  	v35 =	vld [tilespmem:s19+$0xFFFFFFE0]  }
0x102: {  	v7 =	vadd.f32 v33, v7  }
0x103: {  	v36 =	vld [tilespmem:s19+$0xFFFFFFF0]  }
0x104: {  	v7 =	vadd.f32 v34, v7  }
0x105: {  	v37 =	vld [tilespmem:s19+$0x0]  }
0x106: {  	v7 =	vadd.f32 v35, v7  }
0x107: {  	v38 =	vld [tilespmem:s19+$0x10]  }
0x108: {  	v39 =	vld [tilespmem:s14+$0x20];
	v7 =	vadd.f32 v36, v7  }
0x109: {  	v40 =	vld [tilespmem:s19+$0x20];
	v5 =	vadd.f32 v5, v6  }
0x10a: {  	v41 =	vld [tilespmem:s14+$0x30];
	v7 =	vadd.f32 v37, v7  }
0x10b: {  	v42 =	vld [tilespmem:s19+$0x30];
	v4 =	vadd.f32 v4, v5  }
0x10c: {  	v43 =	vld [tilespmem:s15+$0x100];
	v7 =	vadd.f32 v38, v7  }
0x10d: {  	v44 =	vld [tilespmem:s20+$0x100];
	v4 =	vadd.f32 v39, v4  }
0x10e: {  	v45 =	vld [tilespmem:s14+$0x50];
	v6 =	vadd.f32 v40, v7  }
0x10f: {  	v46 =	vld [tilespmem:s19+$0x50];
	v4 =	vadd.f32 v41, v4  }
0x110: {  	v47 =	vld [tilespmem:s14+$0x60];
	v5 =	vadd.f32 v42, v6  }
0x111: {  	v48 =	vld [tilespmem:s19+$0x60];
	v4 =	vadd.f32 v43, v4  }
0x112: {  	v49 =	vld [tilespmem:s14+$0x70];
	v5 =	vadd.f32 v44, v5  }
0x113: {  	v50 =	vld [tilespmem:s19+$0x70];
	v4 =	vadd.f32 v45, v4  }
0x114: {  	v51 =	vld [tilespmem:s14+$0x80];
	v5 =	vadd.f32 v46, v5  }
0x115: {  	v52 =	vld [tilespmem:s19+$0x80];
	v4 =	vadd.f32 v47, v4  }
0x116: {  	v53 =	vld [tilespmem:s14+$0x90];
	v5 =	vadd.f32 v48, v5  }
0x117: {  	v54 =	vld [tilespmem:s19+$0x90];
	v4 =	vadd.f32 v49, v4  }
0x118: {  	v55 =	vld [tilespmem:s14+$0xA0];
	v5 =	vadd.f32 v50, v5  }
0x119: {  	v56 =	vld [tilespmem:s19+$0xA0];
	v4 =	vadd.f32 v51, v4  }
0x11a: {  	v57 =	vld [tilespmem:s14+$0xB0];
	v5 =	vadd.f32 v52, v5  }
0x11b: {  	v58 =	vld [tilespmem:s19+$0xB0];
	v4 =	vadd.f32 v53, v4  }
0x11c: {  	v59 =	vld [tilespmem:s15+$0x180];
	v5 =	vadd.f32 v54, v5  }
0x11d: {  	v60 =	vld [tilespmem:s20+$0x180];
	v4 =	vadd.f32 v55, v4  }
0x11e: {  	v5 =	vadd.f32 v56, v5  }
0x11f: {  	v2 =	vadd.f32 v2, v3;
	v3 =	vadd.f32 v57, v4  }
0x120: {  	v61 =	vadd.f32 v58, v5  }
0x121: {  	(xrf2) =	vadd.scan.msk.f32 $0xffff, v2;
	v2 =	vadd.f32 v59, v3  }
0x122: {  	v3 =	vadd.f32 v60, v61  }
0x123: {  	(xrf2) =	vadd.scan.msk.f32 $0xffff, v2  }
0x124: {  	(xrf2) =	vadd.scan.msk.f32 $0xffff, v3;
	_ =	sdelay $0x6  }
0x125: {  	v2, _, _ =	vpop (xrf2)  }
0x126: {  	v2 =	vbroadcast v2, $0xF;
	v3 =	vmov s18  }
0x127: {  	v62, _, _ =	vpop (xrf2);
	vm0 =	veq.s32 v3, v0  }
0x128: {  	s31 =	sshll.u32 s13, $0x4;
	s13 =	sadd.s32 $0x1, s13;
	v3 =	vbroadcast v62, $0xF;
	v1 =	vsel vm0, v2, v1;
	v2 =	vmov s17;
	v63, _, _ =	vpop (xrf2)  }
0x129: {  	p1 =	sne.s32 s13, $0x4;
	vm14 =	veq.s32 v2, v0;
	v2 =	vmov s16;
	v4 =	vbroadcast v63, $0xF  }
.Ltmp6:
0x12a: {  	v1 =	vsel vm14, v3, v1;
	vm15 =	veq.s32 v2, v0;
	(pc) =	sbr.rel @p1 .LBB2_3-.Ltmp6, $4  }
0x12b: {  	v1 =	vsel vm15, v4, v1  }
0x12c: {  	v1 =	vmul.f32 $2.499999940e-03, v1  }
0x12d: {  	s14 =	sand.u32 $0x3FFFFFF0, s31  }
0x12e: {  	s11 =	sadd.s32 $0x1900, s11;
	s12 =	sadd.s32 $0x1900, s12;
	[tilespmem:s14+$0x6400] =	vst v1  }
.Ltmp7:
0x12f: {  	(pc) =	sbr.rel .LBB2_10-.Ltmp7, $4  }
0x130: {  	[hbm4b:s4+s2] =	stream.linear.scatter [tilespmem:s9], [sflag:$0x1], $0x40, $0x38;
	[tilespmem:$0x6480] =	vst v63  }
0x131: {  	_ =	swait.ge [sflag:s8], $0x40  }
0x132: {  	[sflag:s8] =	ssyncset.done $0x0  }
0x133: {  	[sflag:s8] =	ssyncadd.s32 $0xFFFFFFC0  }
.LBB2_11:
0x134: {  	_ =	sfence.sel $0x180000  }
0x135: {  	[bflag:$0x0] =	sbarrier.arrive $0xFFFF  }
0x136: {  	p0 =	sne.s32 s1, $0x0;
	_ =	strace $0x90000047  }
0x137: {  	s0 =	sadd.s32 @!p0 $0x100000, s0;
	[bflag:$0x2] =	sbarrier.arrive $0xFFFF  }
0x138: {  	[sflag:s0] =	ssyncadd.tile.s32 @!p0 $0x1;
	_ =	shalt  }
.Lfunc_end2:
_tile_overlayer_lowered:
.L_overlay_start_2:
0x139: {  	(tag) =	ssettag $0x2  }
0x13a: {  	s0 =	rddreg [dreg:$0x0];
	s2 =	stileid.u32  }
0x13b: {  	s1 =	rddreg [dreg:$0x1];
	p0 =	sne.s32 s2, $0x0  }
0x13c: {  	s3 =	rddreg [dreg:$0x2];
	[bflag:$0x3] =	sbarrier.arrive $0xFFFF;
	s2 =	simm.s32 @!p0 $0x1C01  }
0x13d: {  	[timem:s3], [sflag:s2] =	dma.local @!p0 [hbm:s0], s1  }
0x13e: {  	s0 =	simm.s32 @!p0 $0x1  }
0x13f: {  	_ =	swait.ge @!p0 [sflag:s0], s1  }
0x140: {  	s1 =	ssub.s32 @!p0 $0x0, s1;
	[sflag:s0] =	ssyncset.done @!p0 $0x0  }
0x141: {  	[sflag:s0] =	ssyncadd.s32 @!p0 s1  }
0x142: {  	[bflag:$0x3] =	sbarrier.arrive $0xFFFF  }
0x143: {  	_ =	shalt  }

</sc_bundles>
